<compile_context>
chip_gen: v7x
topology: tpu7x:2x2x1
jax: 0.10.2.dev20260603
libtpu: 0.0.44.dev20260713+nightly
codegen_flags: <defaults>
</compile_context>

<pallas_src>
import functools

import jax
import jax.numpy as jnp
from jax import lax
from jax.experimental import pallas as pl
from jax.experimental.pallas import tpu as pltpu
from jax.experimental.pallas import tpu_sc as plsc

_N_WORKERS = 32
_CHUNK = 12800
_N_STATES = 1000000
_STAGE_SEG = 10000


def _gather_call(table, flat_idx, total):
    per_worker = total // _N_WORKERS
    n_chunks = per_worker // _CHUNK
    mesh = plsc.VectorSubcoreMesh(core_axis_name="c", subcore_axis_name="s")

    @functools.partial(
        pl.kernel,
        mesh=mesh,
        out_type=jax.ShapeDtypeStruct((total,), jnp.float32),
        scratch_types=[
            pltpu.VMEM((_CHUNK,), jnp.int32),
            pltpu.VMEM((_CHUNK,), jnp.int32),
            pltpu.VMEM((_CHUNK,), jnp.float32),
            pltpu.VMEM((_CHUNK,), jnp.float32),
            pltpu.VMEM((_STAGE_SEG,), jnp.float32),
            pltpu.VMEM_SHARED((_N_STATES,), jnp.float32),
            pltpu.SemaphoreType.DMA,
            pltpu.SemaphoreType.DMA,
            pltpu.SemaphoreType.DMA,
            pltpu.SemaphoreType.DMA,
            pltpu.SemaphoreType.DMA,
        ],
    )
    def k(table_hbm, idx_hbm, out_hbm, idx_v0, idx_v1, rows_v0, rows_v1,
          stage_v, table_sp, sem_i0, sem_i1, sem_g, sem_o0, sem_o1):
        idx_v = (idx_v0, idx_v1)
        rows_v = (rows_v0, rows_v1)
        sem_i = (sem_i0, sem_i1)
        sem_o = (sem_o0, sem_o1)
        sid = lax.axis_index("s")
        wid = sid * 2 + lax.axis_index("c")
        base = wid * per_worker

        n_pieces = _N_STATES // _STAGE_SEG
        n_rounds = -(-n_pieces // 16)
        for p in range(n_rounds):
            piece = p * 16 + sid

            @pl.when(piece < n_pieces)
            def _stage():
                seg = pl.ds(piece * _STAGE_SEG, _STAGE_SEG)
                pltpu.sync_copy(table_hbm.at[seg], stage_v)
                pltpu.sync_copy(stage_v, table_sp.at[seg])

        plsc.subcore_barrier()

        def idx_load(i):
            return pltpu.async_copy(
                idx_hbm.at[pl.ds(base + i * _CHUNK, _CHUNK)],
                idx_v[i % 2],
                sem_i[i % 2],
            )

        loads = {0: idx_load(0), 1: idx_load(1)}
        stores = {}
        for i in range(n_chunks):
            b = i % 2
            loads[i].wait()
            if i - 2 in stores:
                stores[i - 2].wait()
            pltpu.async_copy(table_sp.at[idx_v[b]], rows_v[b], sem_g).wait()
            if i + 2 < n_chunks:
                loads[i + 2] = idx_load(i + 2)
            stores[i] = pltpu.async_copy(
                rows_v[b],
                out_hbm.at[pl.ds(base + i * _CHUNK, _CHUNK)],
                sem_o[b],
            )
        stores[n_chunks - 2].wait()
        stores[n_chunks - 1].wait()

    return k(table, flat_idx)


@functools.partial(jax.jit, static_argnames=("total",))
def _run(table, flat_idx, total):
    return _gather_call(table, flat_idx, total)


def kernel(rew_matrix, state):
    flat = state.reshape(-1)
    out = _run(rew_matrix, flat, flat.shape[0])
    return out.reshape(state.shape)

# --- scband reference (transcript-rebuilt; emitter-appended) ---
"""Pipeline reference for scband-discrete-reward-28784870817915 (READ-ONLY COPY).

The authoritative reference and input builder live on the scoring server;
editing this copy changes nothing except your own understanding.
"""

import jax, jax.numpy as jnp
import numpy as np

N_STATES = 1000000
BATCH = 16384
HIST = 200


def setup_inputs(seed: int = 0) -> dict:
    key = jax.random.key(seed)
    k_param, k_idx = jax.random.split(key)
    # learned parameter: rew_matrix, shape (n_states,), normal(stddev=1.0)
    rew_matrix = jax.random.normal(k_param, (N_STATES,), dtype=jnp.float32)
    # forward arg: state indices in [0, n_states)
    state = jax.random.randint(k_idx, (BATCH, HIST), 0, N_STATES, dtype=jnp.int32)
    return {"rew_matrix": rew_matrix, "state": state}


def reference(rew_matrix, state):
    # DiscreteReward.__call__: gather per-state reward from the reward table
    return jnp.take(rew_matrix, state, axis=0)

if __name__ == "__main__":
    import jax
    _d = setup_inputs()
    print(jax.jit(kernel)(*tuple(_d.values())))

</pallas_src>

<mosaic_0001>
#map = affine_map<(d0, d1) -> (0)>
module attributes {stable_mosaic.version = 14 : i64} {
  func.func @k(%arg0: i32, %arg1: i32, %arg2: memref<1000000xf32, #tpu.memory_space<hbm>>, %arg3: memref<3276800xi32, #tpu.memory_space<hbm>>, %arg4: memref<3276800xf32, #tpu.memory_space<hbm>>, %arg5: memref<12800xi32, #tpu.memory_space<vmem>>, %arg6: memref<12800xi32, #tpu.memory_space<vmem>>, %arg7: memref<12800xf32, #tpu.memory_space<vmem>>, %arg8: memref<12800xf32, #tpu.memory_space<vmem>>, %arg9: memref<10000xf32, #tpu.memory_space<vmem>>, %arg10: memref<1000000xf32, #tpu.memory_space<vmem_shared>>, %arg11: memref<!tpu.dma_semaphore, #tpu.memory_space<semaphore_mem>>, %arg12: memref<!tpu.dma_semaphore, #tpu.memory_space<semaphore_mem>>, %arg13: memref<!tpu.dma_semaphore, #tpu.memory_space<semaphore_mem>>, %arg14: memref<!tpu.dma_semaphore, #tpu.memory_space<semaphore_mem>>, %arg15: memref<!tpu.dma_semaphore, #tpu.memory_space<semaphore_mem>>) attributes {dimension_semantics = [#tpu.dimension_semantics<core_parallel>, #tpu.dimension_semantics<subcore_parallel>], iteration_bounds = array<i64: 2, 16>, scalar_prefetch = 0 : i64, scratch_operands = 11 : i64, tpu.core_type = #tpu.core_type<sc_vector_subcore>, window_params = [{transform_indices = #map}, {transform_indices = #map}, {transform_indices = #map}]} {
    %mul3A = arith.constant 2 : i32
    %mul3A_0 = arith.muli %arg1, %mul3A : i32
    %add3A = arith.addi %mul3A_0, %arg0 : i32
    %mul3A_1 = arith.constant 102400 : i32
    %mul3A_2 = arith.muli %add3A, %mul3A_1 : i32
    %add3A_3 = arith.constant 0 : i32
    %add3A_4 = arith.addi %add3A_3, %arg1 : i32
    %lt3A = arith.constant 100 : i32
    %lt3A_5 = arith.cmpi slt, %add3A_4, %lt3A : i32
    %convert_element_type3A = arith.extui %lt3A_5 : i1 to i32
    %cond3A = arith.constant 0 : i32
    %cond3A_6 = arith.cmpi ne, %convert_element_type3A, %cond3A : i32
    scf.if %cond3A_6 {
      %mul3A_175 = arith.constant 10000 : i32
      %mul3A_176 = arith.muli %add3A_4, %mul3A_175 : i32
      "tpu.region"() ({
        %run_scoped3A = tpu.sem_alloc : memref<!tpu.dma_semaphore, #tpu.memory_space<semaphore_mem>>
        %dma_start3A_177 = tpu.memref_slice %arg2[%mul3A_176] : memref<1000000xf32, #tpu.memory_space<hbm>> -> memref<10000xf32, #tpu.memory_space<hbm>>
        %dma_start3A_178 = tpu.memref_slice %arg2[%mul3A_176] : memref<1000000xf32, #tpu.memory_space<hbm>> -> memref<10000xf32, #tpu.memory_space<hbm>>
        tpu.enqueue_dma source(%dma_start3A_178 : memref<10000xf32, #tpu.memory_space<hbm>>) target(%arg9 : memref<10000xf32, #tpu.memory_space<vmem>>) target_semaphore(%run_scoped3A : memref<!tpu.dma_semaphore, #tpu.memory_space<semaphore_mem>>)
        %dma_wait3A_179 = tpu.memref_slice %arg2[%mul3A_176] : memref<1000000xf32, #tpu.memory_space<hbm>> -> memref<10000xf32, #tpu.memory_space<hbm>>
        %dma_wait3A_180 = tpu.memref_slice %arg2[%mul3A_176] : memref<1000000xf32, #tpu.memory_space<hbm>> -> memref<10000xf32, #tpu.memory_space<hbm>>
        tpu.wait_dma2 semaphore(%run_scoped3A : memref<!tpu.dma_semaphore, #tpu.memory_space<semaphore_mem>>) src(%dma_wait3A_180 : memref<10000xf32, #tpu.memory_space<hbm>>) dst(%arg9 : memref<10000xf32, #tpu.memory_space<vmem>>)
        tpu.yield
      }) : () -> ()
      "tpu.region"() ({
        %run_scoped3A = tpu.sem_alloc : memref<!tpu.dma_semaphore, #tpu.memory_space<semaphore_mem>>
        %dma_start3A_177 = tpu.memref_slice %arg10[%mul3A_176] : memref<1000000xf32, #tpu.memory_space<vmem_shared>> -> memref<10000xf32, #tpu.memory_space<vmem_shared>>
        %dma_start3A_178 = tpu.memref_slice %arg10[%mul3A_176] : memref<1000000xf32, #tpu.memory_space<vmem_shared>> -> memref<10000xf32, #tpu.memory_space<vmem_shared>>
        tpu.enqueue_dma source(%arg9 : memref<10000xf32, #tpu.memory_space<vmem>>) target(%dma_start3A_178 : memref<10000xf32, #tpu.memory_space<vmem_shared>>) target_semaphore(%run_scoped3A : memref<!tpu.dma_semaphore, #tpu.memory_space<semaphore_mem>>)
        %dma_wait3A_179 = tpu.memref_slice %arg10[%mul3A_176] : memref<1000000xf32, #tpu.memory_space<vmem_shared>> -> memref<10000xf32, #tpu.memory_space<vmem_shared>>
        %dma_wait3A_180 = tpu.memref_slice %arg10[%mul3A_176] : memref<1000000xf32, #tpu.memory_space<vmem_shared>> -> memref<10000xf32, #tpu.memory_space<vmem_shared>>
        tpu.wait_dma2 semaphore(%run_scoped3A : memref<!tpu.dma_semaphore, #tpu.memory_space<semaphore_mem>>) src(%arg9 : memref<10000xf32, #tpu.memory_space<vmem>>) dst(%dma_wait3A_180 : memref<10000xf32, #tpu.memory_space<vmem_shared>>)
        tpu.yield
      }) : () -> ()
    } else {
    }
    %add3A_7 = arith.constant 16 : i32
    %add3A_8 = arith.addi %add3A_7, %arg1 : i32
    %lt3A_9 = arith.constant 100 : i32
    %lt3A_10 = arith.cmpi slt, %add3A_8, %lt3A_9 : i32
    %convert_element_type3A_11 = arith.extui %lt3A_10 : i1 to i32
    %cond3A_12 = arith.constant 0 : i32
    %cond3A_13 = arith.cmpi ne, %convert_element_type3A_11, %cond3A_12 : i32
    scf.if %cond3A_13 {
      %mul3A_175 = arith.constant 10000 : i32
      %mul3A_176 = arith.muli %add3A_8, %mul3A_175 : i32
      "tpu.region"() ({
        %run_scoped3A = tpu.sem_alloc : memref<!tpu.dma_semaphore, #tpu.memory_space<semaphore_mem>>
        %dma_start3A_177 = tpu.memref_slice %arg2[%mul3A_176] : memref<1000000xf32, #tpu.memory_space<hbm>> -> memref<10000xf32, #tpu.memory_space<hbm>>
        %dma_start3A_178 = tpu.memref_slice %arg2[%mul3A_176] : memref<1000000xf32, #tpu.memory_space<hbm>> -> memref<10000xf32, #tpu.memory_space<hbm>>
        tpu.enqueue_dma source(%dma_start3A_178 : memref<10000xf32, #tpu.memory_space<hbm>>) target(%arg9 : memref<10000xf32, #tpu.memory_space<vmem>>) target_semaphore(%run_scoped3A : memref<!tpu.dma_semaphore, #tpu.memory_space<semaphore_mem>>)
        %dma_wait3A_179 = tpu.memref_slice %arg2[%mul3A_176] : memref<1000000xf32, #tpu.memory_space<hbm>> -> memref<10000xf32, #tpu.memory_space<hbm>>
        %dma_wait3A_180 = tpu.memref_slice %arg2[%mul3A_176] : memref<1000000xf32, #tpu.memory_space<hbm>> -> memref<10000xf32, #tpu.memory_space<hbm>>
        tpu.wait_dma2 semaphore(%run_scoped3A : memref<!tpu.dma_semaphore, #tpu.memory_space<semaphore_mem>>) src(%dma_wait3A_180 : memref<10000xf32, #tpu.memory_space<hbm>>) dst(%arg9 : memref<10000xf32, #tpu.memory_space<vmem>>)
        tpu.yield
      }) : () -> ()
      "tpu.region"() ({
        %run_scoped3A = tpu.sem_alloc : memref<!tpu.dma_semaphore, #tpu.memory_space<semaphore_mem>>
        %dma_start3A_177 = tpu.memref_slice %arg10[%mul3A_176] : memref<1000000xf32, #tpu.memory_space<vmem_shared>> -> memref<10000xf32, #tpu.memory_space<vmem_shared>>
        %dma_start3A_178 = tpu.memref_slice %arg10[%mul3A_176] : memref<1000000xf32, #tpu.memory_space<vmem_shared>> -> memref<10000xf32, #tpu.memory_space<vmem_shared>>
        tpu.enqueue_dma source(%arg9 : memref<10000xf32, #tpu.memory_space<vmem>>) target(%dma_start3A_178 : memref<10000xf32, #tpu.memory_space<vmem_shared>>) target_semaphore(%run_scoped3A : memref<!tpu.dma_semaphore, #tpu.memory_space<semaphore_mem>>)
        %dma_wait3A_179 = tpu.memref_slice %arg10[%mul3A_176] : memref<1000000xf32, #tpu.memory_space<vmem_shared>> -> memref<10000xf32, #tpu.memory_space<vmem_shared>>
        %dma_wait3A_180 = tpu.memref_slice %arg10[%mul3A_176] : memref<1000000xf32, #tpu.memory_space<vmem_shared>> -> memref<10000xf32, #tpu.memory_space<vmem_shared>>
        tpu.wait_dma2 semaphore(%run_scoped3A : memref<!tpu.dma_semaphore, #tpu.memory_space<semaphore_mem>>) src(%arg9 : memref<10000xf32, #tpu.memory_space<vmem>>) dst(%dma_wait3A_180 : memref<10000xf32, #tpu.memory_space<vmem_shared>>)
        tpu.yield
      }) : () -> ()
    } else {
    }
    %add3A_14 = arith.constant 32 : i32
    %add3A_15 = arith.addi %add3A_14, %arg1 : i32
    %lt3A_16 = arith.constant 100 : i32
    %lt3A_17 = arith.cmpi slt, %add3A_15, %lt3A_16 : i32
    %convert_element_type3A_18 = arith.extui %lt3A_17 : i1 to i32
    %cond3A_19 = arith.constant 0 : i32
    %cond3A_20 = arith.cmpi ne, %convert_element_type3A_18, %cond3A_19 : i32
    scf.if %cond3A_20 {
      %mul3A_175 = arith.constant 10000 : i32
      %mul3A_176 = arith.muli %add3A_15, %mul3A_175 : i32
      "tpu.region"() ({
        %run_scoped3A = tpu.sem_alloc : memref<!tpu.dma_semaphore, #tpu.memory_space<semaphore_mem>>
        %dma_start3A_177 = tpu.memref_slice %arg2[%mul3A_176] : memref<1000000xf32, #tpu.memory_space<hbm>> -> memref<10000xf32, #tpu.memory_space<hbm>>
        %dma_start3A_178 = tpu.memref_slice %arg2[%mul3A_176] : memref<1000000xf32, #tpu.memory_space<hbm>> -> memref<10000xf32, #tpu.memory_space<hbm>>
        tpu.enqueue_dma source(%dma_start3A_178 : memref<10000xf32, #tpu.memory_space<hbm>>) target(%arg9 : memref<10000xf32, #tpu.memory_space<vmem>>) target_semaphore(%run_scoped3A : memref<!tpu.dma_semaphore, #tpu.memory_space<semaphore_mem>>)
        %dma_wait3A_179 = tpu.memref_slice %arg2[%mul3A_176] : memref<1000000xf32, #tpu.memory_space<hbm>> -> memref<10000xf32, #tpu.memory_space<hbm>>
        %dma_wait3A_180 = tpu.memref_slice %arg2[%mul3A_176] : memref<1000000xf32, #tpu.memory_space<hbm>> -> memref<10000xf32, #tpu.memory_space<hbm>>
        tpu.wait_dma2 semaphore(%run_scoped3A : memref<!tpu.dma_semaphore, #tpu.memory_space<semaphore_mem>>) src(%dma_wait3A_180 : memref<10000xf32, #tpu.memory_space<hbm>>) dst(%arg9 : memref<10000xf32, #tpu.memory_space<vmem>>)
        tpu.yield
      }) : () -> ()
      "tpu.region"() ({
        %run_scoped3A = tpu.sem_alloc : memref<!tpu.dma_semaphore, #tpu.memory_space<semaphore_mem>>
        %dma_start3A_177 = tpu.memref_slice %arg10[%mul3A_176] : memref<1000000xf32, #tpu.memory_space<vmem_shared>> -> memref<10000xf32, #tpu.memory_space<vmem_shared>>
        %dma_start3A_178 = tpu.memref_slice %arg10[%mul3A_176] : memref<1000000xf32, #tpu.memory_space<vmem_shared>> -> memref<10000xf32, #tpu.memory_space<vmem_shared>>
        tpu.enqueue_dma source(%arg9 : memref<10000xf32, #tpu.memory_space<vmem>>) target(%dma_start3A_178 : memref<10000xf32, #tpu.memory_space<vmem_shared>>) target_semaphore(%run_scoped3A : memref<!tpu.dma_semaphore, #tpu.memory_space<semaphore_mem>>)
        %dma_wait3A_179 = tpu.memref_slice %arg10[%mul3A_176] : memref<1000000xf32, #tpu.memory_space<vmem_shared>> -> memref<10000xf32, #tpu.memory_space<vmem_shared>>
        %dma_wait3A_180 = tpu.memref_slice %arg10[%mul3A_176] : memref<1000000xf32, #tpu.memory_space<vmem_shared>> -> memref<10000xf32, #tpu.memory_space<vmem_shared>>
        tpu.wait_dma2 semaphore(%run_scoped3A : memref<!tpu.dma_semaphore, #tpu.memory_space<semaphore_mem>>) src(%arg9 : memref<10000xf32, #tpu.memory_space<vmem>>) dst(%dma_wait3A_180 : memref<10000xf32, #tpu.memory_space<vmem_shared>>)
        tpu.yield
      }) : () -> ()
    } else {
    }
    %add3A_21 = arith.constant 48 : i32
    %add3A_22 = arith.addi %add3A_21, %arg1 : i32
    %lt3A_23 = arith.constant 100 : i32
    %lt3A_24 = arith.cmpi slt, %add3A_22, %lt3A_23 : i32
    %convert_element_type3A_25 = arith.extui %lt3A_24 : i1 to i32
    %cond3A_26 = arith.constant 0 : i32
    %cond3A_27 = arith.cmpi ne, %convert_element_type3A_25, %cond3A_26 : i32
    scf.if %cond3A_27 {
      %mul3A_175 = arith.constant 10000 : i32
      %mul3A_176 = arith.muli %add3A_22, %mul3A_175 : i32
      "tpu.region"() ({
        %run_scoped3A = tpu.sem_alloc : memref<!tpu.dma_semaphore, #tpu.memory_space<semaphore_mem>>
        %dma_start3A_177 = tpu.memref_slice %arg2[%mul3A_176] : memref<1000000xf32, #tpu.memory_space<hbm>> -> memref<10000xf32, #tpu.memory_space<hbm>>
        %dma_start3A_178 = tpu.memref_slice %arg2[%mul3A_176] : memref<1000000xf32, #tpu.memory_space<hbm>> -> memref<10000xf32, #tpu.memory_space<hbm>>
        tpu.enqueue_dma source(%dma_start3A_178 : memref<10000xf32, #tpu.memory_space<hbm>>) target(%arg9 : memref<10000xf32, #tpu.memory_space<vmem>>) target_semaphore(%run_scoped3A : memref<!tpu.dma_semaphore, #tpu.memory_space<semaphore_mem>>)
        %dma_wait3A_179 = tpu.memref_slice %arg2[%mul3A_176] : memref<1000000xf32, #tpu.memory_space<hbm>> -> memref<10000xf32, #tpu.memory_space<hbm>>
        %dma_wait3A_180 = tpu.memref_slice %arg2[%mul3A_176] : memref<1000000xf32, #tpu.memory_space<hbm>> -> memref<10000xf32, #tpu.memory_space<hbm>>
        tpu.wait_dma2 semaphore(%run_scoped3A : memref<!tpu.dma_semaphore, #tpu.memory_space<semaphore_mem>>) src(%dma_wait3A_180 : memref<10000xf32, #tpu.memory_space<hbm>>) dst(%arg9 : memref<10000xf32, #tpu.memory_space<vmem>>)
        tpu.yield
      }) : () -> ()
      "tpu.region"() ({
        %run_scoped3A = tpu.sem_alloc : memref<!tpu.dma_semaphore, #tpu.memory_space<semaphore_mem>>
        %dma_start3A_177 = tpu.memref_slice %arg10[%mul3A_176] : memref<1000000xf32, #tpu.memory_space<vmem_shared>> -> memref<10000xf32, #tpu.memory_space<vmem_shared>>
        %dma_start3A_178 = tpu.memref_slice %arg10[%mul3A_176] : memref<1000000xf32, #tpu.memory_space<vmem_shared>> -> memref<10000xf32, #tpu.memory_space<vmem_shared>>
        tpu.enqueue_dma source(%arg9 : memref<10000xf32, #tpu.memory_space<vmem>>) target(%dma_start3A_178 : memref<10000xf32, #tpu.memory_space<vmem_shared>>) target_semaphore(%run_scoped3A : memref<!tpu.dma_semaphore, #tpu.memory_space<semaphore_mem>>)
        %dma_wait3A_179 = tpu.memref_slice %arg10[%mul3A_176] : memref<1000000xf32, #tpu.memory_space<vmem_shared>> -> memref<10000xf32, #tpu.memory_space<vmem_shared>>
        %dma_wait3A_180 = tpu.memref_slice %arg10[%mul3A_176] : memref<1000000xf32, #tpu.memory_space<vmem_shared>> -> memref<10000xf32, #tpu.memory_space<vmem_shared>>
        tpu.wait_dma2 semaphore(%run_scoped3A : memref<!tpu.dma_semaphore, #tpu.memory_space<semaphore_mem>>) src(%arg9 : memref<10000xf32, #tpu.memory_space<vmem>>) dst(%dma_wait3A_180 : memref<10000xf32, #tpu.memory_space<vmem_shared>>)
        tpu.yield
      }) : () -> ()
    } else {
    }
    %add3A_28 = arith.constant 64 : i32
    %add3A_29 = arith.addi %add3A_28, %arg1 : i32
    %lt3A_30 = arith.constant 100 : i32
    %lt3A_31 = arith.cmpi slt, %add3A_29, %lt3A_30 : i32
    %convert_element_type3A_32 = arith.extui %lt3A_31 : i1 to i32
    %cond3A_33 = arith.constant 0 : i32
    %cond3A_34 = arith.cmpi ne, %convert_element_type3A_32, %cond3A_33 : i32
    scf.if %cond3A_34 {
      %mul3A_175 = arith.constant 10000 : i32
      %mul3A_176 = arith.muli %add3A_29, %mul3A_175 : i32
      "tpu.region"() ({
        %run_scoped3A = tpu.sem_alloc : memref<!tpu.dma_semaphore, #tpu.memory_space<semaphore_mem>>
        %dma_start3A_177 = tpu.memref_slice %arg2[%mul3A_176] : memref<1000000xf32, #tpu.memory_space<hbm>> -> memref<10000xf32, #tpu.memory_space<hbm>>
        %dma_start3A_178 = tpu.memref_slice %arg2[%mul3A_176] : memref<1000000xf32, #tpu.memory_space<hbm>> -> memref<10000xf32, #tpu.memory_space<hbm>>
        tpu.enqueue_dma source(%dma_start3A_178 : memref<10000xf32, #tpu.memory_space<hbm>>) target(%arg9 : memref<10000xf32, #tpu.memory_space<vmem>>) target_semaphore(%run_scoped3A : memref<!tpu.dma_semaphore, #tpu.memory_space<semaphore_mem>>)
        %dma_wait3A_179 = tpu.memref_slice %arg2[%mul3A_176] : memref<1000000xf32, #tpu.memory_space<hbm>> -> memref<10000xf32, #tpu.memory_space<hbm>>
        %dma_wait3A_180 = tpu.memref_slice %arg2[%mul3A_176] : memref<1000000xf32, #tpu.memory_space<hbm>> -> memref<10000xf32, #tpu.memory_space<hbm>>
        tpu.wait_dma2 semaphore(%run_scoped3A : memref<!tpu.dma_semaphore, #tpu.memory_space<semaphore_mem>>) src(%dma_wait3A_180 : memref<10000xf32, #tpu.memory_space<hbm>>) dst(%arg9 : memref<10000xf32, #tpu.memory_space<vmem>>)
        tpu.yield
      }) : () -> ()
      "tpu.region"() ({
        %run_scoped3A = tpu.sem_alloc : memref<!tpu.dma_semaphore, #tpu.memory_space<semaphore_mem>>
        %dma_start3A_177 = tpu.memref_slice %arg10[%mul3A_176] : memref<1000000xf32, #tpu.memory_space<vmem_shared>> -> memref<10000xf32, #tpu.memory_space<vmem_shared>>
        %dma_start3A_178 = tpu.memref_slice %arg10[%mul3A_176] : memref<1000000xf32, #tpu.memory_space<vmem_shared>> -> memref<10000xf32, #tpu.memory_space<vmem_shared>>
        tpu.enqueue_dma source(%arg9 : memref<10000xf32, #tpu.memory_space<vmem>>) target(%dma_start3A_178 : memref<10000xf32, #tpu.memory_space<vmem_shared>>) target_semaphore(%run_scoped3A : memref<!tpu.dma_semaphore, #tpu.memory_space<semaphore_mem>>)
        %dma_wait3A_179 = tpu.memref_slice %arg10[%mul3A_176] : memref<1000000xf32, #tpu.memory_space<vmem_shared>> -> memref<10000xf32, #tpu.memory_space<vmem_shared>>
        %dma_wait3A_180 = tpu.memref_slice %arg10[%mul3A_176] : memref<1000000xf32, #tpu.memory_space<vmem_shared>> -> memref<10000xf32, #tpu.memory_space<vmem_shared>>
        tpu.wait_dma2 semaphore(%run_scoped3A : memref<!tpu.dma_semaphore, #tpu.memory_space<semaphore_mem>>) src(%arg9 : memref<10000xf32, #tpu.memory_space<vmem>>) dst(%dma_wait3A_180 : memref<10000xf32, #tpu.memory_space<vmem_shared>>)
        tpu.yield
      }) : () -> ()
    } else {
    }
    %add3A_35 = arith.constant 80 : i32
    %add3A_36 = arith.addi %add3A_35, %arg1 : i32
    %lt3A_37 = arith.constant 100 : i32
    %lt3A_38 = arith.cmpi slt, %add3A_36, %lt3A_37 : i32
    %convert_element_type3A_39 = arith.extui %lt3A_38 : i1 to i32
    %cond3A_40 = arith.constant 0 : i32
    %cond3A_41 = arith.cmpi ne, %convert_element_type3A_39, %cond3A_40 : i32
    scf.if %cond3A_41 {
      %mul3A_175 = arith.constant 10000 : i32
      %mul3A_176 = arith.muli %add3A_36, %mul3A_175 : i32
      "tpu.region"() ({
        %run_scoped3A = tpu.sem_alloc : memref<!tpu.dma_semaphore, #tpu.memory_space<semaphore_mem>>
        %dma_start3A_177 = tpu.memref_slice %arg2[%mul3A_176] : memref<1000000xf32, #tpu.memory_space<hbm>> -> memref<10000xf32, #tpu.memory_space<hbm>>
        %dma_start3A_178 = tpu.memref_slice %arg2[%mul3A_176] : memref<1000000xf32, #tpu.memory_space<hbm>> -> memref<10000xf32, #tpu.memory_space<hbm>>
        tpu.enqueue_dma source(%dma_start3A_178 : memref<10000xf32, #tpu.memory_space<hbm>>) target(%arg9 : memref<10000xf32, #tpu.memory_space<vmem>>) target_semaphore(%run_scoped3A : memref<!tpu.dma_semaphore, #tpu.memory_space<semaphore_mem>>)
        %dma_wait3A_179 = tpu.memref_slice %arg2[%mul3A_176] : memref<1000000xf32, #tpu.memory_space<hbm>> -> memref<10000xf32, #tpu.memory_space<hbm>>
        %dma_wait3A_180 = tpu.memref_slice %arg2[%mul3A_176] : memref<1000000xf32, #tpu.memory_space<hbm>> -> memref<10000xf32, #tpu.memory_space<hbm>>
        tpu.wait_dma2 semaphore(%run_scoped3A : memref<!tpu.dma_semaphore, #tpu.memory_space<semaphore_mem>>) src(%dma_wait3A_180 : memref<10000xf32, #tpu.memory_space<hbm>>) dst(%arg9 : memref<10000xf32, #tpu.memory_space<vmem>>)
        tpu.yield
      }) : () -> ()
      "tpu.region"() ({
        %run_scoped3A = tpu.sem_alloc : memref<!tpu.dma_semaphore, #tpu.memory_space<semaphore_mem>>
        %dma_start3A_177 = tpu.memref_slice %arg10[%mul3A_176] : memref<1000000xf32, #tpu.memory_space<vmem_shared>> -> memref<10000xf32, #tpu.memory_space<vmem_shared>>
        %dma_start3A_178 = tpu.memref_slice %arg10[%mul3A_176] : memref<1000000xf32, #tpu.memory_space<vmem_shared>> -> memref<10000xf32, #tpu.memory_space<vmem_shared>>
        tpu.enqueue_dma source(%arg9 : memref<10000xf32, #tpu.memory_space<vmem>>) target(%dma_start3A_178 : memref<10000xf32, #tpu.memory_space<vmem_shared>>) target_semaphore(%run_scoped3A : memref<!tpu.dma_semaphore, #tpu.memory_space<semaphore_mem>>)
        %dma_wait3A_179 = tpu.memref_slice %arg10[%mul3A_176] : memref<1000000xf32, #tpu.memory_space<vmem_shared>> -> memref<10000xf32, #tpu.memory_space<vmem_shared>>
        %dma_wait3A_180 = tpu.memref_slice %arg10[%mul3A_176] : memref<1000000xf32, #tpu.memory_space<vmem_shared>> -> memref<10000xf32, #tpu.memory_space<vmem_shared>>
        tpu.wait_dma2 semaphore(%run_scoped3A : memref<!tpu.dma_semaphore, #tpu.memory_space<semaphore_mem>>) src(%arg9 : memref<10000xf32, #tpu.memory_space<vmem>>) dst(%dma_wait3A_180 : memref<10000xf32, #tpu.memory_space<vmem_shared>>)
        tpu.yield
      }) : () -> ()
    } else {
    }
    %add3A_42 = arith.constant 96 : i32
    %add3A_43 = arith.addi %add3A_42, %arg1 : i32
    %lt3A_44 = arith.constant 100 : i32
    %lt3A_45 = arith.cmpi slt, %add3A_43, %lt3A_44 : i32
    %convert_element_type3A_46 = arith.extui %lt3A_45 : i1 to i32
    %cond3A_47 = arith.constant 0 : i32
    %cond3A_48 = arith.cmpi ne, %convert_element_type3A_46, %cond3A_47 : i32
    scf.if %cond3A_48 {
      %mul3A_175 = arith.constant 10000 : i32
      %mul3A_176 = arith.muli %add3A_43, %mul3A_175 : i32
      "tpu.region"() ({
        %run_scoped3A = tpu.sem_alloc : memref<!tpu.dma_semaphore, #tpu.memory_space<semaphore_mem>>
        %dma_start3A_177 = tpu.memref_slice %arg2[%mul3A_176] : memref<1000000xf32, #tpu.memory_space<hbm>> -> memref<10000xf32, #tpu.memory_space<hbm>>
        %dma_start3A_178 = tpu.memref_slice %arg2[%mul3A_176] : memref<1000000xf32, #tpu.memory_space<hbm>> -> memref<10000xf32, #tpu.memory_space<hbm>>
        tpu.enqueue_dma source(%dma_start3A_178 : memref<10000xf32, #tpu.memory_space<hbm>>) target(%arg9 : memref<10000xf32, #tpu.memory_space<vmem>>) target_semaphore(%run_scoped3A : memref<!tpu.dma_semaphore, #tpu.memory_space<semaphore_mem>>)
        %dma_wait3A_179 = tpu.memref_slice %arg2[%mul3A_176] : memref<1000000xf32, #tpu.memory_space<hbm>> -> memref<10000xf32, #tpu.memory_space<hbm>>
        %dma_wait3A_180 = tpu.memref_slice %arg2[%mul3A_176] : memref<1000000xf32, #tpu.memory_space<hbm>> -> memref<10000xf32, #tpu.memory_space<hbm>>
        tpu.wait_dma2 semaphore(%run_scoped3A : memref<!tpu.dma_semaphore, #tpu.memory_space<semaphore_mem>>) src(%dma_wait3A_180 : memref<10000xf32, #tpu.memory_space<hbm>>) dst(%arg9 : memref<10000xf32, #tpu.memory_space<vmem>>)
        tpu.yield
      }) : () -> ()
      "tpu.region"() ({
        %run_scoped3A = tpu.sem_alloc : memref<!tpu.dma_semaphore, #tpu.memory_space<semaphore_mem>>
        %dma_start3A_177 = tpu.memref_slice %arg10[%mul3A_176] : memref<1000000xf32, #tpu.memory_space<vmem_shared>> -> memref<10000xf32, #tpu.memory_space<vmem_shared>>
        %dma_start3A_178 = tpu.memref_slice %arg10[%mul3A_176] : memref<1000000xf32, #tpu.memory_space<vmem_shared>> -> memref<10000xf32, #tpu.memory_space<vmem_shared>>
        tpu.enqueue_dma source(%arg9 : memref<10000xf32, #tpu.memory_space<vmem>>) target(%dma_start3A_178 : memref<10000xf32, #tpu.memory_space<vmem_shared>>) target_semaphore(%run_scoped3A : memref<!tpu.dma_semaphore, #tpu.memory_space<semaphore_mem>>)
        %dma_wait3A_179 = tpu.memref_slice %arg10[%mul3A_176] : memref<1000000xf32, #tpu.memory_space<vmem_shared>> -> memref<10000xf32, #tpu.memory_space<vmem_shared>>
        %dma_wait3A_180 = tpu.memref_slice %arg10[%mul3A_176] : memref<1000000xf32, #tpu.memory_space<vmem_shared>> -> memref<10000xf32, #tpu.memory_space<vmem_shared>>
        tpu.wait_dma2 semaphore(%run_scoped3A : memref<!tpu.dma_semaphore, #tpu.memory_space<semaphore_mem>>) src(%arg9 : memref<10000xf32, #tpu.memory_space<vmem>>) dst(%dma_wait3A_180 : memref<10000xf32, #tpu.memory_space<vmem_shared>>)
        tpu.yield
      }) : () -> ()
    } else {
    }
    %barrier3A = arith.constant 0 : index
    tpu.barrier barrier_id(%barrier3A)
    %add3A_49 = arith.constant 0 : i32
    %add3A_50 = arith.addi %mul3A_2, %add3A_49 : i32
    %dma_start3A = tpu.memref_slice %arg3[%add3A_50] : memref<3276800xi32, #tpu.memory_space<hbm>> -> memref<12800xi32, #tpu.memory_space<hbm>>
    %dma_start3A_51 = tpu.memref_slice %arg3[%add3A_50] : memref<3276800xi32, #tpu.memory_space<hbm>> -> memref<12800xi32, #tpu.memory_space<hbm>>
    tpu.enqueue_dma source(%dma_start3A_51 : memref<12800xi32, #tpu.memory_space<hbm>>) target(%arg5 : memref<12800xi32, #tpu.memory_space<vmem>>) target_semaphore(%arg11 : memref<!tpu.dma_semaphore, #tpu.memory_space<semaphore_mem>>)
    %add3A_52 = arith.constant 12800 : i32
    %add3A_53 = arith.addi %mul3A_2, %add3A_52 : i32
    %dma_start3A_54 = tpu.memref_slice %arg3[%add3A_53] : memref<3276800xi32, #tpu.memory_space<hbm>> -> memref<12800xi32, #tpu.memory_space<hbm>>
    %dma_start3A_55 = tpu.memref_slice %arg3[%add3A_53] : memref<3276800xi32, #tpu.memory_space<hbm>> -> memref<12800xi32, #tpu.memory_space<hbm>>
    tpu.enqueue_dma source(%dma_start3A_55 : memref<12800xi32, #tpu.memory_space<hbm>>) target(%arg6 : memref<12800xi32, #tpu.memory_space<vmem>>) target_semaphore(%arg12 : memref<!tpu.dma_semaphore, #tpu.memory_space<semaphore_mem>>)
    %dma_wait3A = tpu.memref_slice %arg3[%add3A_50] : memref<3276800xi32, #tpu.memory_space<hbm>> -> memref<12800xi32, #tpu.memory_space<hbm>>
    %dma_wait3A_56 = tpu.memref_slice %arg3[%add3A_50] : memref<3276800xi32, #tpu.memory_space<hbm>> -> memref<12800xi32, #tpu.memory_space<hbm>>
    tpu.wait_dma2 semaphore(%arg11 : memref<!tpu.dma_semaphore, #tpu.memory_space<semaphore_mem>>) src(%dma_wait3A_56 : memref<12800xi32, #tpu.memory_space<hbm>>) dst(%arg5 : memref<12800xi32, #tpu.memory_space<vmem>>)
    %dma_start3A_57 = arith.constant 0 : i32
    %dma_start3A_58 = tpu.memref_slice %arg10[%dma_start3A_57] : memref<1000000xf32, #tpu.memory_space<vmem_shared>> -> memref<1000000xf32, #tpu.memory_space<vmem_shared>>
    tpu.enqueue_indirect_dma source(%dma_start3A_58 : memref<1000000xf32, #tpu.memory_space<vmem_shared>>) target(%arg7 : memref<12800xf32, #tpu.memory_space<vmem>>) offsets(%arg5 : memref<12800xi32, #tpu.memory_space<vmem>>) semaphore(%arg13 : memref<!tpu.dma_semaphore, #tpu.memory_space<semaphore_mem>>)
    %dma_wait3A_59 = arith.constant 0 : i32
    %dma_wait3A_60 = tpu.memref_slice %arg10[%dma_wait3A_59] : memref<1000000xf32, #tpu.memory_space<vmem_shared>> -> memref<1000000xf32, #tpu.memory_space<vmem_shared>>
    tpu.wait_indirect_dma semaphore(%arg13 : memref<!tpu.dma_semaphore, #tpu.memory_space<semaphore_mem>>) src(%dma_wait3A_60 : memref<1000000xf32, #tpu.memory_space<vmem_shared>>) dst(%arg7 : memref<12800xf32, #tpu.memory_space<vmem>>)
    %add3A_61 = arith.constant 25600 : i32
    %add3A_62 = arith.addi %mul3A_2, %add3A_61 : i32
    %dma_start3A_63 = tpu.memref_slice %arg3[%add3A_62] : memref<3276800xi32, #tpu.memory_space<hbm>> -> memref<12800xi32, #tpu.memory_space<hbm>>
    %dma_start3A_64 = tpu.memref_slice %arg3[%add3A_62] : memref<3276800xi32, #tpu.memory_space<hbm>> -> memref<12800xi32, #tpu.memory_space<hbm>>
    tpu.enqueue_dma source(%dma_start3A_64 : memref<12800xi32, #tpu.memory_space<hbm>>) target(%arg5 : memref<12800xi32, #tpu.memory_space<vmem>>) target_semaphore(%arg11 : memref<!tpu.dma_semaphore, #tpu.memory_space<semaphore_mem>>)
    %add3A_65 = arith.constant 0 : i32
    %add3A_66 = arith.addi %mul3A_2, %add3A_65 : i32
    %dma_start3A_67 = tpu.memref_slice %arg4[%add3A_66] : memref<3276800xf32, #tpu.memory_space<hbm>> -> memref<12800xf32, #tpu.memory_space<hbm>>
    %dma_start3A_68 = tpu.memref_slice %arg4[%add3A_66] : memref<3276800xf32, #tpu.memory_space<hbm>> -> memref<12800xf32, #tpu.memory_space<hbm>>
    tpu.enqueue_dma source(%arg7 : memref<12800xf32, #tpu.memory_space<vmem>>) target(%dma_start3A_68 : memref<12800xf32, #tpu.memory_space<hbm>>) target_semaphore(%arg14 : memref<!tpu.dma_semaphore, #tpu.memory_space<semaphore_mem>>)
    %dma_wait3A_69 = tpu.memref_slice %arg3[%add3A_53] : memref<3276800xi32, #tpu.memory_space<hbm>> -> memref<12800xi32, #tpu.memory_space<hbm>>
    %dma_wait3A_70 = tpu.memref_slice %arg3[%add3A_53] : memref<3276800xi32, #tpu.memory_space<hbm>> -> memref<12800xi32, #tpu.memory_space<hbm>>
    tpu.wait_dma2 semaphore(%arg12 : memref<!tpu.dma_semaphore, #tpu.memory_space<semaphore_mem>>) src(%dma_wait3A_70 : memref<12800xi32, #tpu.memory_space<hbm>>) dst(%arg6 : memref<12800xi32, #tpu.memory_space<vmem>>)
    %dma_start3A_71 = arith.constant 0 : i32
    %dma_start3A_72 = tpu.memref_slice %arg10[%dma_start3A_71] : memref<1000000xf32, #tpu.memory_space<vmem_shared>> -> memref<1000000xf32, #tpu.memory_space<vmem_shared>>
    tpu.enqueue_indirect_dma source(%dma_start3A_72 : memref<1000000xf32, #tpu.memory_space<vmem_shared>>) target(%arg8 : memref<12800xf32, #tpu.memory_space<vmem>>) offsets(%arg6 : memref<12800xi32, #tpu.memory_space<vmem>>) semaphore(%arg13 : memref<!tpu.dma_semaphore, #tpu.memory_space<semaphore_mem>>)
    %dma_wait3A_73 = arith.constant 0 : i32
    %dma_wait3A_74 = tpu.memref_slice %arg10[%dma_wait3A_73] : memref<1000000xf32, #tpu.memory_space<vmem_shared>> -> memref<1000000xf32, #tpu.memory_space<vmem_shared>>
    tpu.wait_indirect_dma semaphore(%arg13 : memref<!tpu.dma_semaphore, #tpu.memory_space<semaphore_mem>>) src(%dma_wait3A_74 : memref<1000000xf32, #tpu.memory_space<vmem_shared>>) dst(%arg8 : memref<12800xf32, #tpu.memory_space<vmem>>)
    %add3A_75 = arith.constant 38400 : i32
    %add3A_76 = arith.addi %mul3A_2, %add3A_75 : i32
    %dma_start3A_77 = tpu.memref_slice %arg3[%add3A_76] : memref<3276800xi32, #tpu.memory_space<hbm>> -> memref<12800xi32, #tpu.memory_space<hbm>>
    %dma_start3A_78 = tpu.memref_slice %arg3[%add3A_76] : memref<3276800xi32, #tpu.memory_space<hbm>> -> memref<12800xi32, #tpu.memory_space<hbm>>
    tpu.enqueue_dma source(%dma_start3A_78 : memref<12800xi32, #tpu.memory_space<hbm>>) target(%arg6 : memref<12800xi32, #tpu.memory_space<vmem>>) target_semaphore(%arg12 : memref<!tpu.dma_semaphore, #tpu.memory_space<semaphore_mem>>)
    %add3A_79 = arith.constant 12800 : i32
    %add3A_80 = arith.addi %mul3A_2, %add3A_79 : i32
    %dma_start3A_81 = tpu.memref_slice %arg4[%add3A_80] : memref<3276800xf32, #tpu.memory_space<hbm>> -> memref<12800xf32, #tpu.memory_space<hbm>>
    %dma_start3A_82 = tpu.memref_slice %arg4[%add3A_80] : memref<3276800xf32, #tpu.memory_space<hbm>> -> memref<12800xf32, #tpu.memory_space<hbm>>
    tpu.enqueue_dma source(%arg8 : memref<12800xf32, #tpu.memory_space<vmem>>) target(%dma_start3A_82 : memref<12800xf32, #tpu.memory_space<hbm>>) target_semaphore(%arg15 : memref<!tpu.dma_semaphore, #tpu.memory_space<semaphore_mem>>)
    %dma_wait3A_83 = tpu.memref_slice %arg3[%add3A_62] : memref<3276800xi32, #tpu.memory_space<hbm>> -> memref<12800xi32, #tpu.memory_space<hbm>>
    %dma_wait3A_84 = tpu.memref_slice %arg3[%add3A_62] : memref<3276800xi32, #tpu.memory_space<hbm>> -> memref<12800xi32, #tpu.memory_space<hbm>>
    tpu.wait_dma2 semaphore(%arg11 : memref<!tpu.dma_semaphore, #tpu.memory_space<semaphore_mem>>) src(%dma_wait3A_84 : memref<12800xi32, #tpu.memory_space<hbm>>) dst(%arg5 : memref<12800xi32, #tpu.memory_space<vmem>>)
    %dma_wait3A_85 = tpu.memref_slice %arg4[%add3A_66] : memref<3276800xf32, #tpu.memory_space<hbm>> -> memref<12800xf32, #tpu.memory_space<hbm>>
    %dma_wait3A_86 = tpu.memref_slice %arg4[%add3A_66] : memref<3276800xf32, #tpu.memory_space<hbm>> -> memref<12800xf32, #tpu.memory_space<hbm>>
    tpu.wait_dma2 semaphore(%arg14 : memref<!tpu.dma_semaphore, #tpu.memory_space<semaphore_mem>>) src(%arg7 : memref<12800xf32, #tpu.memory_space<vmem>>) dst(%dma_wait3A_86 : memref<12800xf32, #tpu.memory_space<hbm>>)
    %dma_start3A_87 = arith.constant 0 : i32
    %dma_start3A_88 = tpu.memref_slice %arg10[%dma_start3A_87] : memref<1000000xf32, #tpu.memory_space<vmem_shared>> -> memref<1000000xf32, #tpu.memory_space<vmem_shared>>
    tpu.enqueue_indirect_dma source(%dma_start3A_88 : memref<1000000xf32, #tpu.memory_space<vmem_shared>>) target(%arg7 : memref<12800xf32, #tpu.memory_space<vmem>>) offsets(%arg5 : memref<12800xi32, #tpu.memory_space<vmem>>) semaphore(%arg13 : memref<!tpu.dma_semaphore, #tpu.memory_space<semaphore_mem>>)
    %dma_wait3A_89 = arith.constant 0 : i32
    %dma_wait3A_90 = tpu.memref_slice %arg10[%dma_wait3A_89] : memref<1000000xf32, #tpu.memory_space<vmem_shared>> -> memref<1000000xf32, #tpu.memory_space<vmem_shared>>
    tpu.wait_indirect_dma semaphore(%arg13 : memref<!tpu.dma_semaphore, #tpu.memory_space<semaphore_mem>>) src(%dma_wait3A_90 : memref<1000000xf32, #tpu.memory_space<vmem_shared>>) dst(%arg7 : memref<12800xf32, #tpu.memory_space<vmem>>)
    %add3A_91 = arith.constant 51200 : i32
    %add3A_92 = arith.addi %mul3A_2, %add3A_91 : i32
    %dma_start3A_93 = tpu.memref_slice %arg3[%add3A_92] : memref<3276800xi32, #tpu.memory_space<hbm>> -> memref<12800xi32, #tpu.memory_space<hbm>>
    %dma_start3A_94 = tpu.memref_slice %arg3[%add3A_92] : memref<3276800xi32, #tpu.memory_space<hbm>> -> memref<12800xi32, #tpu.memory_space<hbm>>
    tpu.enqueue_dma source(%dma_start3A_94 : memref<12800xi32, #tpu.memory_space<hbm>>) target(%arg5 : memref<12800xi32, #tpu.memory_space<vmem>>) target_semaphore(%arg11 : memref<!tpu.dma_semaphore, #tpu.memory_space<semaphore_mem>>)
    %add3A_95 = arith.constant 25600 : i32
    %add3A_96 = arith.addi %mul3A_2, %add3A_95 : i32
    %dma_start3A_97 = tpu.memref_slice %arg4[%add3A_96] : memref<3276800xf32, #tpu.memory_space<hbm>> -> memref<12800xf32, #tpu.memory_space<hbm>>
    %dma_start3A_98 = tpu.memref_slice %arg4[%add3A_96] : memref<3276800xf32, #tpu.memory_space<hbm>> -> memref<12800xf32, #tpu.memory_space<hbm>>
    tpu.enqueue_dma source(%arg7 : memref<12800xf32, #tpu.memory_space<vmem>>) target(%dma_start3A_98 : memref<12800xf32, #tpu.memory_space<hbm>>) target_semaphore(%arg14 : memref<!tpu.dma_semaphore, #tpu.memory_space<semaphore_mem>>)
    %dma_wait3A_99 = tpu.memref_slice %arg3[%add3A_76] : memref<3276800xi32, #tpu.memory_space<hbm>> -> memref<12800xi32, #tpu.memory_space<hbm>>
    %dma_wait3A_100 = tpu.memref_slice %arg3[%add3A_76] : memref<3276800xi32, #tpu.memory_space<hbm>> -> memref<12800xi32, #tpu.memory_space<hbm>>
    tpu.wait_dma2 semaphore(%arg12 : memref<!tpu.dma_semaphore, #tpu.memory_space<semaphore_mem>>) src(%dma_wait3A_100 : memref<12800xi32, #tpu.memory_space<hbm>>) dst(%arg6 : memref<12800xi32, #tpu.memory_space<vmem>>)
    %dma_wait3A_101 = tpu.memref_slice %arg4[%add3A_80] : memref<3276800xf32, #tpu.memory_space<hbm>> -> memref<12800xf32, #tpu.memory_space<hbm>>
    %dma_wait3A_102 = tpu.memref_slice %arg4[%add3A_80] : memref<3276800xf32, #tpu.memory_space<hbm>> -> memref<12800xf32, #tpu.memory_space<hbm>>
    tpu.wait_dma2 semaphore(%arg15 : memref<!tpu.dma_semaphore, #tpu.memory_space<semaphore_mem>>) src(%arg8 : memref<12800xf32, #tpu.memory_space<vmem>>) dst(%dma_wait3A_102 : memref<12800xf32, #tpu.memory_space<hbm>>)
    %dma_start3A_103 = arith.constant 0 : i32
    %dma_start3A_104 = tpu.memref_slice %arg10[%dma_start3A_103] : memref<1000000xf32, #tpu.memory_space<vmem_shared>> -> memref<1000000xf32, #tpu.memory_space<vmem_shared>>
    tpu.enqueue_indirect_dma source(%dma_start3A_104 : memref<1000000xf32, #tpu.memory_space<vmem_shared>>) target(%arg8 : memref<12800xf32, #tpu.memory_space<vmem>>) offsets(%arg6 : memref<12800xi32, #tpu.memory_space<vmem>>) semaphore(%arg13 : memref<!tpu.dma_semaphore, #tpu.memory_space<semaphore_mem>>)
    %dma_wait3A_105 = arith.constant 0 : i32
    %dma_wait3A_106 = tpu.memref_slice %arg10[%dma_wait3A_105] : memref<1000000xf32, #tpu.memory_space<vmem_shared>> -> memref<1000000xf32, #tpu.memory_space<vmem_shared>>
    tpu.wait_indirect_dma semaphore(%arg13 : memref<!tpu.dma_semaphore, #tpu.memory_space<semaphore_mem>>) src(%dma_wait3A_106 : memref<1000000xf32, #tpu.memory_space<vmem_shared>>) dst(%arg8 : memref<12800xf32, #tpu.memory_space<vmem>>)
    %add3A_107 = arith.constant 64000 : i32
    %add3A_108 = arith.addi %mul3A_2, %add3A_107 : i32
    %dma_start3A_109 = tpu.memref_slice %arg3[%add3A_108] : memref<3276800xi32, #tpu.memory_space<hbm>> -> memref<12800xi32, #tpu.memory_space<hbm>>
    %dma_start3A_110 = tpu.memref_slice %arg3[%add3A_108] : memref<3276800xi32, #tpu.memory_space<hbm>> -> memref<12800xi32, #tpu.memory_space<hbm>>
    tpu.enqueue_dma source(%dma_start3A_110 : memref<12800xi32, #tpu.memory_space<hbm>>) target(%arg6 : memref<12800xi32, #tpu.memory_space<vmem>>) target_semaphore(%arg12 : memref<!tpu.dma_semaphore, #tpu.memory_space<semaphore_mem>>)
    %add3A_111 = arith.constant 38400 : i32
    %add3A_112 = arith.addi %mul3A_2, %add3A_111 : i32
    %dma_start3A_113 = tpu.memref_slice %arg4[%add3A_112] : memref<3276800xf32, #tpu.memory_space<hbm>> -> memref<12800xf32, #tpu.memory_space<hbm>>
    %dma_start3A_114 = tpu.memref_slice %arg4[%add3A_112] : memref<3276800xf32, #tpu.memory_space<hbm>> -> memref<12800xf32, #tpu.memory_space<hbm>>
    tpu.enqueue_dma source(%arg8 : memref<12800xf32, #tpu.memory_space<vmem>>) target(%dma_start3A_114 : memref<12800xf32, #tpu.memory_space<hbm>>) target_semaphore(%arg15 : memref<!tpu.dma_semaphore, #tpu.memory_space<semaphore_mem>>)
    %dma_wait3A_115 = tpu.memref_slice %arg3[%add3A_92] : memref<3276800xi32, #tpu.memory_space<hbm>> -> memref<12800xi32, #tpu.memory_space<hbm>>
    %dma_wait3A_116 = tpu.memref_slice %arg3[%add3A_92] : memref<3276800xi32, #tpu.memory_space<hbm>> -> memref<12800xi32, #tpu.memory_space<hbm>>
    tpu.wait_dma2 semaphore(%arg11 : memref<!tpu.dma_semaphore, #tpu.memory_space<semaphore_mem>>) src(%dma_wait3A_116 : memref<12800xi32, #tpu.memory_space<hbm>>) dst(%arg5 : memref<12800xi32, #tpu.memory_space<vmem>>)
    %dma_wait3A_117 = tpu.memref_slice %arg4[%add3A_96] : memref<3276800xf32, #tpu.memory_space<hbm>> -> memref<12800xf32, #tpu.memory_space<hbm>>
    %dma_wait3A_118 = tpu.memref_slice %arg4[%add3A_96] : memref<3276800xf32, #tpu.memory_space<hbm>> -> memref<12800xf32, #tpu.memory_space<hbm>>
    tpu.wait_dma2 semaphore(%arg14 : memref<!tpu.dma_semaphore, #tpu.memory_space<semaphore_mem>>) src(%arg7 : memref<12800xf32, #tpu.memory_space<vmem>>) dst(%dma_wait3A_118 : memref<12800xf32, #tpu.memory_space<hbm>>)
    %dma_start3A_119 = arith.constant 0 : i32
    %dma_start3A_120 = tpu.memref_slice %arg10[%dma_start3A_119] : memref<1000000xf32, #tpu.memory_space<vmem_shared>> -> memref<1000000xf32, #tpu.memory_space<vmem_shared>>
    tpu.enqueue_indirect_dma source(%dma_start3A_120 : memref<1000000xf32, #tpu.memory_space<vmem_shared>>) target(%arg7 : memref<12800xf32, #tpu.memory_space<vmem>>) offsets(%arg5 : memref<12800xi32, #tpu.memory_space<vmem>>) semaphore(%arg13 : memref<!tpu.dma_semaphore, #tpu.memory_space<semaphore_mem>>)
    %dma_wait3A_121 = arith.constant 0 : i32
    %dma_wait3A_122 = tpu.memref_slice %arg10[%dma_wait3A_121] : memref<1000000xf32, #tpu.memory_space<vmem_shared>> -> memref<1000000xf32, #tpu.memory_space<vmem_shared>>
    tpu.wait_indirect_dma semaphore(%arg13 : memref<!tpu.dma_semaphore, #tpu.memory_space<semaphore_mem>>) src(%dma_wait3A_122 : memref<1000000xf32, #tpu.memory_space<vmem_shared>>) dst(%arg7 : memref<12800xf32, #tpu.memory_space<vmem>>)
    %add3A_123 = arith.constant 76800 : i32
    %add3A_124 = arith.addi %mul3A_2, %add3A_123 : i32
    %dma_start3A_125 = tpu.memref_slice %arg3[%add3A_124] : memref<3276800xi32, #tpu.memory_space<hbm>> -> memref<12800xi32, #tpu.memory_space<hbm>>
    %dma_start3A_126 = tpu.memref_slice %arg3[%add3A_124] : memref<3276800xi32, #tpu.memory_space<hbm>> -> memref<12800xi32, #tpu.memory_space<hbm>>
    tpu.enqueue_dma source(%dma_start3A_126 : memref<12800xi32, #tpu.memory_space<hbm>>) target(%arg5 : memref<12800xi32, #tpu.memory_space<vmem>>) target_semaphore(%arg11 : memref<!tpu.dma_semaphore, #tpu.memory_space<semaphore_mem>>)
    %add3A_127 = arith.constant 51200 : i32
    %add3A_128 = arith.addi %mul3A_2, %add3A_127 : i32
    %dma_start3A_129 = tpu.memref_slice %arg4[%add3A_128] : memref<3276800xf32, #tpu.memory_space<hbm>> -> memref<12800xf32, #tpu.memory_space<hbm>>
    %dma_start3A_130 = tpu.memref_slice %arg4[%add3A_128] : memref<3276800xf32, #tpu.memory_space<hbm>> -> memref<12800xf32, #tpu.memory_space<hbm>>
    tpu.enqueue_dma source(%arg7 : memref<12800xf32, #tpu.memory_space<vmem>>) target(%dma_start3A_130 : memref<12800xf32, #tpu.memory_space<hbm>>) target_semaphore(%arg14 : memref<!tpu.dma_semaphore, #tpu.memory_space<semaphore_mem>>)
    %dma_wait3A_131 = tpu.memref_slice %arg3[%add3A_108] : memref<3276800xi32, #tpu.memory_space<hbm>> -> memref<12800xi32, #tpu.memory_space<hbm>>
    %dma_wait3A_132 = tpu.memref_slice %arg3[%add3A_108] : memref<3276800xi32, #tpu.memory_space<hbm>> -> memref<12800xi32, #tpu.memory_space<hbm>>
    tpu.wait_dma2 semaphore(%arg12 : memref<!tpu.dma_semaphore, #tpu.memory_space<semaphore_mem>>) src(%dma_wait3A_132 : memref<12800xi32, #tpu.memory_space<hbm>>) dst(%arg6 : memref<12800xi32, #tpu.memory_space<vmem>>)
    %dma_wait3A_133 = tpu.memref_slice %arg4[%add3A_112] : memref<3276800xf32, #tpu.memory_space<hbm>> -> memref<12800xf32, #tpu.memory_space<hbm>>
    %dma_wait3A_134 = tpu.memref_slice %arg4[%add3A_112] : memref<3276800xf32, #tpu.memory_space<hbm>> -> memref<12800xf32, #tpu.memory_space<hbm>>
    tpu.wait_dma2 semaphore(%arg15 : memref<!tpu.dma_semaphore, #tpu.memory_space<semaphore_mem>>) src(%arg8 : memref<12800xf32, #tpu.memory_space<vmem>>) dst(%dma_wait3A_134 : memref<12800xf32, #tpu.memory_space<hbm>>)
    %dma_start3A_135 = arith.constant 0 : i32
    %dma_start3A_136 = tpu.memref_slice %arg10[%dma_start3A_135] : memref<1000000xf32, #tpu.memory_space<vmem_shared>> -> memref<1000000xf32, #tpu.memory_space<vmem_shared>>
    tpu.enqueue_indirect_dma source(%dma_start3A_136 : memref<1000000xf32, #tpu.memory_space<vmem_shared>>) target(%arg8 : memref<12800xf32, #tpu.memory_space<vmem>>) offsets(%arg6 : memref<12800xi32, #tpu.memory_space<vmem>>) semaphore(%arg13 : memref<!tpu.dma_semaphore, #tpu.memory_space<semaphore_mem>>)
    %dma_wait3A_137 = arith.constant 0 : i32
    %dma_wait3A_138 = tpu.memref_slice %arg10[%dma_wait3A_137] : memref<1000000xf32, #tpu.memory_space<vmem_shared>> -> memref<1000000xf32, #tpu.memory_space<vmem_shared>>
    tpu.wait_indirect_dma semaphore(%arg13 : memref<!tpu.dma_semaphore, #tpu.memory_space<semaphore_mem>>) src(%dma_wait3A_138 : memref<1000000xf32, #tpu.memory_space<vmem_shared>>) dst(%arg8 : memref<12800xf32, #tpu.memory_space<vmem>>)
    %add3A_139 = arith.constant 89600 : i32
    %add3A_140 = arith.addi %mul3A_2, %add3A_139 : i32
    %dma_start3A_141 = tpu.memref_slice %arg3[%add3A_140] : memref<3276800xi32, #tpu.memory_space<hbm>> -> memref<12800xi32, #tpu.memory_space<hbm>>
    %dma_start3A_142 = tpu.memref_slice %arg3[%add3A_140] : memref<3276800xi32, #tpu.memory_space<hbm>> -> memref<12800xi32, #tpu.memory_space<hbm>>
    tpu.enqueue_dma source(%dma_start3A_142 : memref<12800xi32, #tpu.memory_space<hbm>>) target(%arg6 : memref<12800xi32, #tpu.memory_space<vmem>>) target_semaphore(%arg12 : memref<!tpu.dma_semaphore, #tpu.memory_space<semaphore_mem>>)
    %add3A_143 = arith.constant 64000 : i32
    %add3A_144 = arith.addi %mul3A_2, %add3A_143 : i32
    %dma_start3A_145 = tpu.memref_slice %arg4[%add3A_144] : memref<3276800xf32, #tpu.memory_space<hbm>> -> memref<12800xf32, #tpu.memory_space<hbm>>
    %dma_start3A_146 = tpu.memref_slice %arg4[%add3A_144] : memref<3276800xf32, #tpu.memory_space<hbm>> -> memref<12800xf32, #tpu.memory_space<hbm>>
    tpu.enqueue_dma source(%arg8 : memref<12800xf32, #tpu.memory_space<vmem>>) target(%dma_start3A_146 : memref<12800xf32, #tpu.memory_space<hbm>>) target_semaphore(%arg15 : memref<!tpu.dma_semaphore, #tpu.memory_space<semaphore_mem>>)
    %dma_wait3A_147 = tpu.memref_slice %arg3[%add3A_124] : memref<3276800xi32, #tpu.memory_space<hbm>> -> memref<12800xi32, #tpu.memory_space<hbm>>
    %dma_wait3A_148 = tpu.memref_slice %arg3[%add3A_124] : memref<3276800xi32, #tpu.memory_space<hbm>> -> memref<12800xi32, #tpu.memory_space<hbm>>
    tpu.wait_dma2 semaphore(%arg11 : memref<!tpu.dma_semaphore, #tpu.memory_space<semaphore_mem>>) src(%dma_wait3A_148 : memref<12800xi32, #tpu.memory_space<hbm>>) dst(%arg5 : memref<12800xi32, #tpu.memory_space<vmem>>)
    %dma_wait3A_149 = tpu.memref_slice %arg4[%add3A_128] : memref<3276800xf32, #tpu.memory_space<hbm>> -> memref<12800xf32, #tpu.memory_space<hbm>>
    %dma_wait3A_150 = tpu.memref_slice %arg4[%add3A_128] : memref<3276800xf32, #tpu.memory_space<hbm>> -> memref<12800xf32, #tpu.memory_space<hbm>>
    tpu.wait_dma2 semaphore(%arg14 : memref<!tpu.dma_semaphore, #tpu.memory_space<semaphore_mem>>) src(%arg7 : memref<12800xf32, #tpu.memory_space<vmem>>) dst(%dma_wait3A_150 : memref<12800xf32, #tpu.memory_space<hbm>>)
    %dma_start3A_151 = arith.constant 0 : i32
    %dma_start3A_152 = tpu.memref_slice %arg10[%dma_start3A_151] : memref<1000000xf32, #tpu.memory_space<vmem_shared>> -> memref<1000000xf32, #tpu.memory_space<vmem_shared>>
    tpu.enqueue_indirect_dma source(%dma_start3A_152 : memref<1000000xf32, #tpu.memory_space<vmem_shared>>) target(%arg7 : memref<12800xf32, #tpu.memory_space<vmem>>) offsets(%arg5 : memref<12800xi32, #tpu.memory_space<vmem>>) semaphore(%arg13 : memref<!tpu.dma_semaphore, #tpu.memory_space<semaphore_mem>>)
    %dma_wait3A_153 = arith.constant 0 : i32
    %dma_wait3A_154 = tpu.memref_slice %arg10[%dma_wait3A_153] : memref<1000000xf32, #tpu.memory_space<vmem_shared>> -> memref<1000000xf32, #tpu.memory_space<vmem_shared>>
    tpu.wait_indirect_dma semaphore(%arg13 : memref<!tpu.dma_semaphore, #tpu.memory_space<semaphore_mem>>) src(%dma_wait3A_154 : memref<1000000xf32, #tpu.memory_space<vmem_shared>>) dst(%arg7 : memref<12800xf32, #tpu.memory_space<vmem>>)
    %add3A_155 = arith.constant 76800 : i32
    %add3A_156 = arith.addi %mul3A_2, %add3A_155 : i32
    %dma_start3A_157 = tpu.memref_slice %arg4[%add3A_156] : memref<3276800xf32, #tpu.memory_space<hbm>> -> memref<12800xf32, #tpu.memory_space<hbm>>
    %dma_start3A_158 = tpu.memref_slice %arg4[%add3A_156] : memref<3276800xf32, #tpu.memory_space<hbm>> -> memref<12800xf32, #tpu.memory_space<hbm>>
    tpu.enqueue_dma source(%arg7 : memref<12800xf32, #tpu.memory_space<vmem>>) target(%dma_start3A_158 : memref<12800xf32, #tpu.memory_space<hbm>>) target_semaphore(%arg14 : memref<!tpu.dma_semaphore, #tpu.memory_space<semaphore_mem>>)
    %dma_wait3A_159 = tpu.memref_slice %arg3[%add3A_140] : memref<3276800xi32, #tpu.memory_space<hbm>> -> memref<12800xi32, #tpu.memory_space<hbm>>
    %dma_wait3A_160 = tpu.memref_slice %arg3[%add3A_140] : memref<3276800xi32, #tpu.memory_space<hbm>> -> memref<12800xi32, #tpu.memory_space<hbm>>
    tpu.wait_dma2 semaphore(%arg12 : memref<!tpu.dma_semaphore, #tpu.memory_space<semaphore_mem>>) src(%dma_wait3A_160 : memref<12800xi32, #tpu.memory_space<hbm>>) dst(%arg6 : memref<12800xi32, #tpu.memory_space<vmem>>)
    %dma_wait3A_161 = tpu.memref_slice %arg4[%add3A_144] : memref<3276800xf32, #tpu.memory_space<hbm>> -> memref<12800xf32, #tpu.memory_space<hbm>>
    %dma_wait3A_162 = tpu.memref_slice %arg4[%add3A_144] : memref<3276800xf32, #tpu.memory_space<hbm>> -> memref<12800xf32, #tpu.memory_space<hbm>>
    tpu.wait_dma2 semaphore(%arg15 : memref<!tpu.dma_semaphore, #tpu.memory_space<semaphore_mem>>) src(%arg8 : memref<12800xf32, #tpu.memory_space<vmem>>) dst(%dma_wait3A_162 : memref<12800xf32, #tpu.memory_space<hbm>>)
    %dma_start3A_163 = arith.constant 0 : i32
    %dma_start3A_164 = tpu.memref_slice %arg10[%dma_start3A_163] : memref<1000000xf32, #tpu.memory_space<vmem_shared>> -> memref<1000000xf32, #tpu.memory_space<vmem_shared>>
    tpu.enqueue_indirect_dma source(%dma_start3A_164 : memref<1000000xf32, #tpu.memory_space<vmem_shared>>) target(%arg8 : memref<12800xf32, #tpu.memory_space<vmem>>) offsets(%arg6 : memref<12800xi32, #tpu.memory_space<vmem>>) semaphore(%arg13 : memref<!tpu.dma_semaphore, #tpu.memory_space<semaphore_mem>>)
    %dma_wait3A_165 = arith.constant 0 : i32
    %dma_wait3A_166 = tpu.memref_slice %arg10[%dma_wait3A_165] : memref<1000000xf32, #tpu.memory_space<vmem_shared>> -> memref<1000000xf32, #tpu.memory_space<vmem_shared>>
    tpu.wait_indirect_dma semaphore(%arg13 : memref<!tpu.dma_semaphore, #tpu.memory_space<semaphore_mem>>) src(%dma_wait3A_166 : memref<1000000xf32, #tpu.memory_space<vmem_shared>>) dst(%arg8 : memref<12800xf32, #tpu.memory_space<vmem>>)
    %add3A_167 = arith.constant 89600 : i32
    %add3A_168 = arith.addi %mul3A_2, %add3A_167 : i32
    %dma_start3A_169 = tpu.memref_slice %arg4[%add3A_168] : memref<3276800xf32, #tpu.memory_space<hbm>> -> memref<12800xf32, #tpu.memory_space<hbm>>
    %dma_start3A_170 = tpu.memref_slice %arg4[%add3A_168] : memref<3276800xf32, #tpu.memory_space<hbm>> -> memref<12800xf32, #tpu.memory_space<hbm>>
    tpu.enqueue_dma source(%arg8 : memref<12800xf32, #tpu.memory_space<vmem>>) target(%dma_start3A_170 : memref<12800xf32, #tpu.memory_space<hbm>>) target_semaphore(%arg15 : memref<!tpu.dma_semaphore, #tpu.memory_space<semaphore_mem>>)
    %dma_wait3A_171 = tpu.memref_slice %arg4[%add3A_156] : memref<3276800xf32, #tpu.memory_space<hbm>> -> memref<12800xf32, #tpu.memory_space<hbm>>
    %dma_wait3A_172 = tpu.memref_slice %arg4[%add3A_156] : memref<3276800xf32, #tpu.memory_space<hbm>> -> memref<12800xf32, #tpu.memory_space<hbm>>
    tpu.wait_dma2 semaphore(%arg14 : memref<!tpu.dma_semaphore, #tpu.memory_space<semaphore_mem>>) src(%arg7 : memref<12800xf32, #tpu.memory_space<vmem>>) dst(%dma_wait3A_172 : memref<12800xf32, #tpu.memory_space<hbm>>)
    %dma_wait3A_173 = tpu.memref_slice %arg4[%add3A_168] : memref<3276800xf32, #tpu.memory_space<hbm>> -> memref<12800xf32, #tpu.memory_space<hbm>>
    %dma_wait3A_174 = tpu.memref_slice %arg4[%add3A_168] : memref<3276800xf32, #tpu.memory_space<hbm>> -> memref<12800xf32, #tpu.memory_space<hbm>>
    tpu.wait_dma2 semaphore(%arg15 : memref<!tpu.dma_semaphore, #tpu.memory_space<semaphore_mem>>) src(%arg8 : memref<12800xf32, #tpu.memory_space<vmem>>) dst(%dma_wait3A_174 : memref<12800xf32, #tpu.memory_space<hbm>>)
    return
  }
}

</mosaic_0001>

<sc_bundles>
// kernel: _run.3.cloned.1.call-start
scs
__scs_entry_jumppad:
0x0: {  	(pc) =	sbr.rel $0x88, $3  }
0x1: {  	(tag) =	ssettag $0x0;
	lr =	simm.s32 $0x1  }
0x2: {  	[smem:$0x3F9F] =	sst lr;
	_ =	strace $0xD0000000  }
0x3: {  	_ = 	snop  }
0x4: {  	_ = 	snop  }
0x5: {  	_ = 	snop  }
0x6: {  	_ = 	snop  }
0x7: {  	_ = 	snop  }
__scs_overlays_trampoline_lowered:
0x8: {  	[smem:$0x3FAE] =	sst s0  }
0x9: {  	[smem:$0x3FAF] =	sst s1  }
0xa: {  	[smem:$0x3FB0] =	sst s2  }
0xb: {  	[smem:$0x3FB1] =	sst s3  }
0xc: {  	[smem:$0x3FB2] =	sst s4  }
0xd: {  	[smem:$0x3FB3] =	sst s5  }
0xe: {  	[smem:$0x3FB4] =	sst s6  }
0xf: {  	[smem:$0x3FB5] =	sst s7  }
0x10: {  	[smem:$0x3FB6] =	sst s8  }
0x11: {  	[smem:$0x3FB7] =	sst s9;
	s0 =	simm.s32 @!p0 $0x0  }
0x12: {  	s1 =	sld [smem:$0x3F9D];
	s0 =	simm.s32 @p0 $0x1  }
0x13: {  	[smem:$0x3FB8] =	sst s0;
	s0 =	simm.s32 @!p1 $0x0  }
0x14: {  	s2 =	sld [smem:$0x3F9C];
	s0 =	simm.s32 @p1 $0x1  }
0x15: {  	[smem:$0x3FB9] =	sst s0;
	s0 =	simm.s32 @!p2 $0x0  }
0x16: {  	s3 =	sld [smem:$0x3FDB];
	s0 =	simm.s32 @p2 $0x1  }
0x17: {  	s4 =	simm.s32 $0x1BF5;
	[smem:$0x3FBB] =	sst s0  }
0x18: {  	s0 =	sld [smem:$0x3F9E];
	_ =	swait.ge [sflag:s4], $0x0  }
0x19: {  	s7 =	sld [smem:$0x3F9F]  }
0x1a: {  	s8 =	sadd.s32 $0xFFFFE003, lr  }
0x1b: {  	s9 =	sadd.s32 $0xFFFFFEF7, lr;
	s5 =	simm.s32 $0xFFFFFFFF;
	p2 =	slt.u32 s8, $0xFFFFF086  }
0x1c: {  	p1 =	slt.u32 s9, $0xF7A;
	s5 =	simm.s32 @!p2 $0x0  }
0x1d: {  	s5 =	simm.s32 @p1 $0x1;
	p0 =	seq.s32 s7, s2  }
0x1e: {  	s7 =	smul.u32 @!p0 $0xF7A, s2;
	p2 =	seq.s32 @!p0 s5, $0x0  }
0x1f: {  	s9 =	smul.u32 $0xF7A, s1;
	s8 =	simm.s32 @!p0 $0x1BF5;
	p2 =	por !p2, p0  }
0x20: {  	[sflag:s8] =	ssyncset.s32 @!p0 $0xFFFFF086;
	s6 =	sadd.s32 @!p0 s3, s7;
	s7 =	simm.s32 @!p0 $0x108  }
0x21: {  	s3 =	sadd.s32 s3, s9;
	s6 =	sadd.s32 @!p0 $0x88, s6;
	s7 =	simm.s32 @p2 $0x1082  }
0x22: {  	[simem:s7], [sflag:s8] =	dma.local @!p0 [hbm:s6], $0xF7A  }
0x23: {  	s9 =	sor.u32 $0xD0000000, s2;
	s6 =	simm.s32 $0x108;
	_ =	swait.ge @!p0 [sflag:s8], $0x0  }
0x24: {  	s3 =	sadd.s32 $0x88, s3;
	s6 =	simm.s32 @!p1 $0x1082;
	[sflag:s4] =	ssyncset.s32 $0xFFFFF086  }
0x25: {  	[simem:s6], [sflag:s4] =	dma.local [hbm:s3], $0xF7A  }
0x26: {  	[smem:$0x3F9F] =	sst s1;
	(tag) =	ssettag s2;
	_ =	strace s9  }
0x27: {  	s1 =	sld [smem:$0x3FAF]  }
0x28: {  	s2 =	sld [smem:$0x3FB0]  }
0x29: {  	s4 =	sld [smem:$0x3FB2]  }
0x2a: {  	p0 =	seq.s32 s5, $0x0;
	s5 =	sld [smem:$0x3FB3]  }
0x2b: {  	s6 =	sld [smem:$0x3FB4]  }
0x2c: {  	s7 =	sld [smem:$0x3FB5]  }
0x2d: {  	s3 =	simm.s32 $0x108;
	s8 =	sld [smem:$0x3FB6]  }
0x2e: {  	s3 =	simm.s32 @!p0 $0x1082;
	s9 =	sld [smem:$0x3FB7]  }
0x2f: {  	lr =	sadd.s32 s0, s3;
	s0 =	sld [smem:$0x3FAE]  }
0x30: {  	s3 =	sld [smem:$0x3FB1]  }
0x31: {  	[smem:$0x3FBA] =	sst s10  }
0x32: {  	s10 =	sld [smem:$0x3FB8];
	_ =	sdelay $0x3  }
0x33: {  	p0 =	seq.s32 s10, $0x1;
	s10 =	sld [smem:$0x3FBA];
	_ =	sdelay $0x3  }
0x34: {  	[smem:$0x3FBA] =	sst s10  }
0x35: {  	s10 =	sld [smem:$0x3FB9];
	_ =	sdelay $0x3  }
0x36: {  	p1 =	seq.s32 s10, $0x1;
	s10 =	sld [smem:$0x3FBA];
	_ =	sdelay $0x3  }
0x37: {  	[smem:$0x3FBA] =	sst s10  }
0x38: {  	s10 =	sld [smem:$0x3FBB]  }
0x39: {  	_ = 	snop;
	(pc) =	sbr.ind lr, $3  }
0x3a: {  	_ = 	snop  }
0x3b: {  	_ = 	snop  }
0x3c: {  	p2 =	seq.s32 s10, $0x1;
	s10 =	sld [smem:$0x3FBA]  }
0x3d: {  	_ =	shalt  }
0x3e: {  	_ =	shalt  }
0x3f: {  	_ =	shalt  }
0x40: {  	_ =	shalt  }
0x41: {  	_ =	shalt  }
0x42: {  	_ =	shalt  }
0x43: {  	_ =	shalt  }
0x44: {  	_ =	shalt  }
0x45: {  	_ =	shalt  }
0x46: {  	_ =	shalt  }
0x47: {  	_ =	shalt  }
0x48: {  	_ =	shalt  }
0x49: {  	_ =	shalt  }
0x4a: {  	_ =	shalt  }
0x4b: {  	_ =	shalt  }
0x4c: {  	_ =	shalt  }
0x4d: {  	_ =	shalt  }
0x4e: {  	_ =	shalt  }
0x4f: {  	_ =	shalt  }
0x50: {  	_ =	shalt  }
0x51: {  	_ =	shalt  }
0x52: {  	_ =	shalt  }
0x53: {  	_ =	shalt  }
0x54: {  	_ =	shalt  }
0x55: {  	_ =	shalt  }
0x56: {  	_ =	shalt  }
0x57: {  	_ =	shalt  }
0x58: {  	_ =	shalt  }
0x59: {  	_ =	shalt  }
0x5a: {  	_ =	shalt  }
0x5b: {  	_ =	shalt  }
0x5c: {  	_ =	shalt  }
0x5d: {  	_ =	shalt  }
0x5e: {  	_ =	shalt  }
0x5f: {  	_ =	shalt  }
0x60: {  	_ =	shalt  }
0x61: {  	_ =	shalt  }
0x62: {  	_ =	shalt  }
0x63: {  	_ =	shalt  }
0x64: {  	_ =	shalt  }
0x65: {  	_ =	shalt  }
0x66: {  	_ =	shalt  }
0x67: {  	_ =	shalt  }
0x68: {  	_ =	shalt  }
0x69: {  	_ =	shalt  }
0x6a: {  	_ =	shalt  }
0x6b: {  	_ =	shalt  }
0x6c: {  	_ =	shalt  }
0x6d: {  	_ =	shalt  }
0x6e: {  	_ =	shalt  }
0x6f: {  	_ =	shalt  }
0x70: {  	_ =	shalt  }
0x71: {  	_ =	shalt  }
0x72: {  	_ =	shalt  }
0x73: {  	_ =	shalt  }
0x74: {  	_ =	shalt  }
0x75: {  	_ =	shalt  }
0x76: {  	_ =	shalt  }
0x77: {  	_ =	shalt  }
0x78: {  	_ =	shalt  }
0x79: {  	_ =	shalt  }
0x7a: {  	_ =	shalt  }
0x7b: {  	_ =	shalt  }
0x7c: {  	_ =	shalt  }
0x7d: {  	_ =	shalt  }
0x7e: {  	_ =	shalt  }
0x7f: {  	_ =	shalt  }
0x80: {  	_ =	shalt  }
0x81: {  	_ =	shalt  }
0x82: {  	_ =	shalt  }
0x83: {  	_ =	shalt  }
0x84: {  	_ =	shalt  }
0x85: {  	_ =	shalt  }
0x86: {  	_ =	shalt  }
0x87: {  	_ =	shalt  }
.Lfunc_end0:
.L_simem_size_0:
called_computation_lowered:
.L_overlay_start_0:
0x88: {  	s2 =	sld [smem:$0x3FD9]  }
0x89: {  	s3 =	sld [smem:$0x3FFE];
	_ =	sdelay $0x1  }
0x8a: {  	s1 =	srdreg.scid  }
0x8b: {  	s0 =	sand.u32 $0x1, s1  }
0x8c: {  	s18 =	sshll.u32 s0, $0xA;
	s2 =	sadd.s32 s3, s2  }
0x8d: {  	s2 =	sadd.s32 s2, s18  }
0x8e: {  	[smem:$0x3FC6] =	sst s2  }
0x8f: {  	_ = 	snop  }
0x90: {  	s2 =	sld [smem:$0x3FC9]  }
0x91: {  	s19 =	sld [smem:$0x3FC8]  }
0x92: {  	s4 =	sld [smem:$0x3FD0];
	(tm) =	ssettm $0x1  }
0x93: {  	s5 =	sld [smem:$0x3FFB];
	_ =	sdelay $0x3  }
0x94: {  	_ =	strace s5  }
0x95: {  	s5 =	sld [smem:$0x3FFC];
	_ =	sdelay $0x3  }
0x96: {  	_ =	strace s5  }
0x97: {  	s5 =	sld [smem:$0x3FFD];
	_ =	sdelay $0x3  }
0x98: {  	_ =	strace s5  }
0x99: {  	_ =	strace $0x8FFFFFFF  }
0x9a: {  	s20 =	sld [smem:$0x3FDB];
	_ =	sdelay $0x1  }
0x9b: {  	s6 =	simm.s32 $_scs_section_size  }
0x9c: {  	s7 =	simm.s32 $_size__tile_overlayer_lowered;
	s8 =	simm.s32 $_tile_overlayer_lowered  }
0x9d: {  	s23 =	simm.s32 $0x1BFF;
	s22 =	sshll.u32 s8, $0x1;
	s5 =	sadd.s32 s6, s20  }
0x9e: {  	s9 =	simm.s32 $0x0;
	s21 =	sshll.u32 s7, $0x1;
	s7 =	sadd.s32 s22, s5  }
0x9f: {  	[timem:s9], [sflag:s23] =	dma.local [hbm:s7], s21  }
0xa0: {  	_ =	swait.ge [sflag:s23], s21  }
0xa1: {  	s6 =	ssub.s32 $0x0, s21;
	[sflag:s23] =	ssyncset.done $0x0  }
0xa2: {  	[sflag:s23] =	ssyncadd.s32 s6;
	_ =	sdelay $0x1  }
0xa3: {  	s24 =	simm.s32 $0x1B8B  }
0xa4: {  	_ =	swait.ge [sflag:s24], $0x1  }
0xa5: {  	[sflag:s24] =	ssyncset.done $0x0  }
0xa6: {  	s25 =	simm.s32 $0x1B8E;
	[sflag:s24] =	ssyncadd.s32 $0xFFFFFFFF  }
0xa7: {  	s26 =	simm.s32 $execute0_lowered;
	[smem:$0x3FD2] =	sst s25  }
0xa8: {  	s6 =	sshll.u32 s26, $0x1;
	_ =	strace $0x80000046;
	[dreg:$0x1] =	wrdreg $0xFFFFFFFF  }
0xa9: {  	s28 =	simm.s32 $_size_execute0_lowered;
	s5 =	sadd.s32 s5, s6;
	[dreg:$0x0] =	wrdreg $0x0  }
0xaa: {  	s6 =	sshll.u32 s28, $0x1;
	[dreg:$0x2] =	wrdreg s5  }
0xab: {  	[dreg:$0x3] =	wrdreg s6  }
0xac: {  	[dreg:$0x4] =	wrdreg $0xC0  }
0xad: {  	_ =	task [dreg:s9], $0x5FFFF  }
0xae: {  	[dreg:$0x1] =	wrdreg $0xFFFFFFFF  }
0xaf: {  	[dreg:$0x0] =	wrdreg $0x60  }
0xb0: {  	[dreg:$0x2] =	wrdreg s2  }
0xb1: {  	[dreg:$0x3] =	wrdreg s19  }
0xb2: {  	[dreg:$0x4] =	wrdreg s4  }
0xb3: {  	[dreg:$0x5] =	wrdreg $0xEF800  }
0xb4: {  	[dreg:$0x6] =	wrdreg $0x9  }
0xb5: {  	_ =	task.clear_ibuf [dreg:s9], $0x7FFFF;
	_ =	strace $0x90000046  }
0xb6: {  	s29 =	simm.s32 $0x9;
	_ =	strace $0x80000048  }
0xb7: {  	_ =	swait.ge [sflag:s29], $0x1  }
0xb8: {  	[sflag:s29] =	ssyncadd.s32 $0xFFFFFFFF  }
0xb9: {  	_ =	strace $0x90000048  }
0xba: {  	_ =	sfence  }
0xbb: {  	s30 =	sld [smem:$0x0];
	_ =	sdelay $0x2  }
0xbc: {  	s31 =	sshll.u32 s1, $0xD;
	s1 =	sshrl.u32 s1, $0x2  }
0xbd: {  	s3 =	sand.u32 $0x4000, s31;
	s1 =	sadd.s32 s1, s30  }
0xbe: {  	s0 =	sor.u32 s3, s0;
	s1 =	sshll.u32 s1, $0x11  }
0xbf: {  	s0 =	sor.u32 s1, s0  }
0xc0: {  	s0 =	sadd.s32 $0x8F2B, s0  }
0xc1: {  	[sflag:s0] =	ssyncadd.remote.s32 $0x1  }
0xc2: {  	_ =	sfence.sel $0xFFFF  }
0xc3: {  	[dreg:$0x0] =	wrdreg $0xFFFFFFFF;
	(pc) =	sbr.abs _section_cstart, $3  }
0xc4: {  	[dreg:$0x1] =	wrdreg $0xFFFFFFFF  }
0xc5: {  	_ =	task.clear_ibuf [dreg:s9], $0x2FFFF;
	_ =	strace $0x9FFFFFFF  }
0xc6: {  	(tm) =	ssettm $0x7FFFFFFF  }
0xc7: {  	_ =	shalt  }
tec
execute0_lowered:
.L_overlay_start_1:
0x0: {  	(tag) =	ssettag $0x1  }
0x1: {  	s1 =	rddreg [dreg:$0x0]  }
0x2: {  	s4 =	rddreg [dreg:$0x1]  }
0x3: {  	s0 =	rddreg [dreg:$0x2]  }
0x4: {  	s3 =	rddreg [dreg:$0x3]  }
0x5: {  	s29 =	rddreg [dreg:$0x4];
	s2 =	simm.s32 $0x0  }
0x6: {  	s5 =	srdreg.scid;
	s30 =	stileid.u32;
	s28 =	simm.s32 $0xC800  }
0x7: {  	[smem:$0x7FF] =	sst s2;
	s5 =	sand.u32 $0x1, s5;
	s6 =	smul.u32 $0x2710, s30  }
0x8: {  	s8 =	sshll.u32 s30, $0x1;
	_ =	strace $0x80000047;
	s7 =	ssub.s32 $0x2, s5  }
0x9: {  	s5 =	sor.u32 s5, s8;
	s9 =	sshrl.u32 s7, $0x1;
	s24 =	sshrl.u32 s6, $0x3  }
0xa: {  	s5 =	smul.u32 $0x19000, s5;
	s10 =	sadd.s32 $0x27100, s6;
	s25 =	sadd.s32 s6, s3  }
0xb: {  	s31 =	sadd.s32 $0x4E200, s6;
	s14 =	sadd.s32 $0x75300, s6;
	s18 =	sadd.s32 $0x9C400, s6  }
0xc: {  	s22 =	sadd.s32 $0xC3500, s6;
	s8 =	sadd.s32 s1, s24;
	[dreg:$0x6] =	wrdreg s25  }
0xd: {  	s11 =	sshrl.u32 s10, $0x3;
	s10 =	sadd.s32 s10, s3;
	[dreg:$0x5] =	wrdreg s8  }
0xe: {  	s6 =	sadd.s32 $0xEA600, s6;
	s15 =	sadd.s32 s31, s3;
	[dreg:$0x8] =	wrdreg s10  }
0xf: {  	s12 =	sshrl.u32 s31, $0x3;
	s19 =	sadd.s32 s14, s3;
	[dreg:$0xa] =	wrdreg s15  }
0x10: {  	s16 =	sshrl.u32 s14, $0x3;
	s23 =	sadd.s32 s18, s3;
	[dreg:$0xc] =	wrdreg s19  }
0x11: {  	s20 =	sshrl.u32 s18, $0x3;
	s26 =	sadd.s32 s1, s11;
	[dreg:$0xe] =	wrdreg s23  }
0x12: {  	s24 =	sshrl.u32 s22, $0x3;
	s13 =	sadd.s32 s1, s12;
	[dreg:$0x7] =	wrdreg s26  }
0x13: {  	s31 =	sshrl.u32 s6, $0x3;
	s17 =	sadd.s32 s1, s16;
	[dreg:$0x9] =	wrdreg s13  }
0x14: {  	s7 =	ssub.s32 s7, s9;
	s21 =	sadd.s32 s1, s20;
	[dreg:$0xb] =	wrdreg s17  }
0x15: {  	s25 =	sadd.s32 s1, s24;
	s1 =	sadd.s32 s1, s31;
	[dreg:$0xd] =	wrdreg s21  }
0x16: {  	s5 =	sshrl.u32 s5, $0x3;
	s31 =	smax.u32 s7, $0x1;
	[dreg:$0xf] =	wrdreg s25  }
0x17: {  	s26 =	sadd.s32 s22, s3;
	s8 =	sadd.s32 s4, s5;
	s9 =	sadd.s32 $0x640, s5  }
0x18: {  	s11 =	sadd.s32 $0xC80, s5;
	s12 =	sadd.s32 $0x12C0, s5;
	s25 =	sadd.s32 s0, s5  }
0x19: {  	s13 =	sadd.s32 $0x1900, s5;
	s14 =	sadd.s32 $0x1F40, s5;
	[dreg:$0x10] =	wrdreg s26  }
0x1a: {  	s15 =	sadd.s32 $0x2580, s5;
	[dreg:$0x13] =	wrdreg s8;
	s10 =	sadd.s32 s4, s9  }
0x1b: {  	s24 =	sadd.s32 s4, s11;
	s22 =	sadd.s32 s4, s12;
	s23 =	sadd.s32 s0, s9  }
0x1c: {  	s20 =	sadd.s32 s4, s13;
	s21 =	sadd.s32 s0, s11;
	s18 =	sadd.s32 s4, s14  }
0x1d: {  	s19 =	sadd.s32 s0, s12;
	s16 =	sadd.s32 s4, s15;
	s26 =	sadd.s32 $0x2BC0, s5  }
0x1e: {  	s17 =	sadd.s32 s0, s13;
	s14 =	sadd.s32 s0, s14;
	s8 =	sadd.s32 s0, s15  }
0x1f: {  	s13 =	sadd.s32 s4, s26;
	s4 =	sadd.s32 s0, s26;
	s0 =	sadd.s32 $0xFFFFFFFF, s31  }
0x20: {  	p1 =	por $0x0, $0x0;
	s6 =	sadd.s32 s6, s3;
	p2 =	sne.s32 s0, $0x0  }
.Ltmp0:
0x21: {  	p0 =	sgt.u32 s30, $0x3;
	[dreg:$0x12] =	wrdreg s6;
	(pc) =	sbr.rel @!p2 .LBB2_5-.Ltmp0, $4  }
0x22: {  	s6 =	simm.s32 $0x3;
	s7 =	simm.s32 $0x5;
	[dreg:$0x11] =	wrdreg s1  }
0x23: {  	s1 =	rddreg [dreg:$0x5];
	s5 =	simm.s32 $0x3200;
	s15 =	simm.s32 $0x1  }
0x24: {  	s12 =	simm.s32 $0x6400;
	s11 =	simm.s32 $0x2;
	s9 =	simm.s32 $0x4  }
0x25: {  	[dreg:$0x14] =	wrdreg s10;
	s26 =	simm.s32 $0x6;
	s10 =	simm.s32 $0x9600  }
0x26: {  	[tilespmem:s28], [sflag:$0x6] =	stream.linear.gather [hbm4b:s1+s2], $0x2710, $0x38;
	[tilespmem:$0x1E3A8] =	vst v63  }
0x27: {  	_ =	swait.ge [sflag:s26], $0x2710  }
0x28: {  	[sflag:s26] =	ssyncset.done $0x0  }
0x29: {  	s30 =	rddreg [dreg:$0x6];
	[sflag:s26] =	ssyncadd.s32 $0xFFFFD8F0  }
0x2a: {  	[spmem:s30] =	stream.linear.scatter [tilespmem:s28], [sflag:$0x6], $0x2710, $0x38;
	[tilespmem:$0x1E3A8] =	vst v63  }
0x2b: {  	_ =	swait.ge [sflag:s26], $0x2710  }
0x2c: {  	[sflag:s26] =	ssyncset.done $0x0  }
0x2d: {  	s30 =	rddreg [dreg:$0x7];
	[sflag:s26] =	ssyncadd.s32 $0xFFFFD8F0  }
0x2e: {  	[tilespmem:s28], [sflag:$0x6] =	stream.linear.gather [hbm4b:s30+s2], $0x2710, $0x38;
	[tilespmem:$0x1E3A8] =	vst v63  }
0x2f: {  	_ =	swait.ge [sflag:s26], $0x2710  }
0x30: {  	[sflag:s26] =	ssyncset.done $0x0  }
0x31: {  	s30 =	rddreg [dreg:$0x8];
	[sflag:s26] =	ssyncadd.s32 $0xFFFFD8F0  }
0x32: {  	[spmem:s30] =	stream.linear.scatter [tilespmem:s28], [sflag:$0x6], $0x2710, $0x38;
	[tilespmem:$0x1E3A8] =	vst v63  }
0x33: {  	_ =	swait.ge [sflag:s26], $0x2710  }
0x34: {  	[sflag:s26] =	ssyncset.done $0x0  }
0x35: {  	s30 =	rddreg [dreg:$0x9];
	[sflag:s26] =	ssyncadd.s32 $0xFFFFD8F0  }
0x36: {  	[tilespmem:s28], [sflag:$0x6] =	stream.linear.gather [hbm4b:s30+s2], $0x2710, $0x38;
	[tilespmem:$0x1E3A8] =	vst v63  }
0x37: {  	_ =	swait.ge [sflag:s26], $0x2710  }
0x38: {  	[sflag:s26] =	ssyncset.done $0x0  }
0x39: {  	s30 =	rddreg [dreg:$0xa];
	[sflag:s26] =	ssyncadd.s32 $0xFFFFD8F0  }
0x3a: {  	[spmem:s30] =	stream.linear.scatter [tilespmem:s28], [sflag:$0x6], $0x2710, $0x38;
	[tilespmem:$0x1E3A8] =	vst v63  }
0x3b: {  	_ =	swait.ge [sflag:s26], $0x2710  }
0x3c: {  	[sflag:s26] =	ssyncset.done $0x0  }
0x3d: {  	s30 =	rddreg [dreg:$0xb];
	[sflag:s26] =	ssyncadd.s32 $0xFFFFD8F0  }
0x3e: {  	[tilespmem:s28], [sflag:$0x6] =	stream.linear.gather [hbm4b:s30+s2], $0x2710, $0x38;
	[tilespmem:$0x1E3A8] =	vst v63  }
0x3f: {  	_ =	swait.ge [sflag:s26], $0x2710  }
0x40: {  	[sflag:s26] =	ssyncset.done $0x0  }
0x41: {  	s30 =	rddreg [dreg:$0xc];
	[sflag:s26] =	ssyncadd.s32 $0xFFFFD8F0  }
0x42: {  	[spmem:s30] =	stream.linear.scatter [tilespmem:s28], [sflag:$0x6], $0x2710, $0x38;
	[tilespmem:$0x1E3A8] =	vst v63  }
0x43: {  	_ =	swait.ge [sflag:s26], $0x2710  }
0x44: {  	[sflag:s26] =	ssyncset.done $0x0  }
0x45: {  	s30 =	rddreg [dreg:$0xd];
	[sflag:s26] =	ssyncadd.s32 $0xFFFFD8F0  }
0x46: {  	[tilespmem:s28], [sflag:$0x6] =	stream.linear.gather [hbm4b:s30+s2], $0x2710, $0x38;
	[tilespmem:$0x1E3A8] =	vst v63  }
0x47: {  	_ =	swait.ge [sflag:s26], $0x2710  }
0x48: {  	[sflag:s26] =	ssyncset.done $0x0  }
0x49: {  	s30 =	rddreg [dreg:$0xe];
	[sflag:s26] =	ssyncadd.s32 $0xFFFFD8F0  }
0x4a: {  	[spmem:s30] =	stream.linear.scatter [tilespmem:s28], [sflag:$0x6], $0x2710, $0x38;
	[tilespmem:$0x1E3A8] =	vst v63  }
0x4b: {  	_ =	swait.ge [sflag:s26], $0x2710  }
0x4c: {  	[sflag:s26] =	ssyncset.done $0x0  }
0x4d: {  	s30 =	rddreg [dreg:$0xf];
	[sflag:s26] =	ssyncadd.s32 $0xFFFFD8F0  }
0x4e: {  	[tilespmem:s28], [sflag:$0x6] =	stream.linear.gather [hbm4b:s30+s2], $0x2710, $0x38;
	[tilespmem:$0x1E3A8] =	vst v63  }
0x4f: {  	_ =	swait.ge [sflag:s26], $0x2710  }
0x50: {  	[sflag:s26] =	ssyncset.done $0x0  }
0x51: {  	s30 =	rddreg [dreg:$0x10];
	[sflag:s26] =	ssyncadd.s32 $0xFFFFD8F0  }
0x52: {  	[spmem:s30] =	stream.linear.scatter [tilespmem:s28], [sflag:$0x6], $0x2710, $0x38;
	[tilespmem:$0x1E3A8] =	vst v63  }
0x53: {  	s29 =	simm.s32 @!p0 $0x6;
	_ =	swait.ge [sflag:s26], $0x2710  }
0x54: {  	s31 =	simm.s32 @!p0 $0xC800;
	s30 =	smov.u32 s0;
	[sflag:s26] =	ssyncset.done $0x0  }
0x55: {  	s0 =	simm.s32 @!p0 $0x0;
	s1 =	rddreg [dreg:$0x11];
	[sflag:s26] =	ssyncadd.s32 $0xFFFFD8F0  }
0x56: {  	[tilespmem:s31], [sflag:$0x6] =	stream.linear.gather @!p0 [hbm4b:s1+s0], $0x2710, $0x38;
	[tilespmem:$0x1E3A8] =	vst v63  }
0x57: {  	_ =	swait.ge @!p0 [sflag:s29], $0x2710  }
0x58: {  	[sflag:s29] =	ssyncset.done @!p0 $0x0  }
0x59: {  	s1 =	rddreg [dreg:$0x12];
	[sflag:s29] =	ssyncadd.s32 @!p0 $0xFFFFD8F0  }
0x5a: {  	[spmem:s1] =	stream.linear.scatter @!p0 [tilespmem:s31], [sflag:$0x6], $0x2710, $0x38;
	[tilespmem:$0x1E3A8] =	vst v63  }
0x5b: {  	_ =	swait.ge @!p0 [sflag:s29], $0x2710  }
0x5c: {  	[sflag:s29] =	ssyncset.done @!p0 $0x0  }
0x5d: {  	[sflag:s29] =	ssyncadd.s32 @!p0 $0xFFFFD8F0  }
0x5e: {  	[bflag:$0x0] =	sbarrier.arrive $0xFFFF  }
0x5f: {  	s1 =	rddreg [dreg:$0x13]  }
0x60: {  	[tilespmem:s2], [sflag:$0x1] =	stream.linear.gather [hbm4b:s1+s2], $0x3200, $0x38;
	[tilespmem:$0x1E3A8] =	vst v63  }
0x61: {  	s0 =	rddreg [dreg:$0x14]  }
0x62: {  	[tilespmem:s5], [sflag:$0x2] =	stream.linear.gather [hbm4b:s0+s2], $0x3200, $0x38;
	[tilespmem:$0x1E3A8] =	vst v63  }
0x63: {  	_ =	swait.ge [sflag:s15], $0x3200  }
0x64: {  	[sflag:s15] =	ssyncset.done $0x0  }
0x65: {  	[sflag:s15] =	ssyncadd.s32 $0xFFFFCE00  }
0x66: {  	[tilespmem:s12], [sflag:$0x3] =	stream.indirect.gather [spmem:s3], $0x1, s2, s5, $0xb8;
	[tilespmem:$0x1E3A8] =	vst v63  }
0x67: {  	_ =	swait.ge [sflag:s6], $0x3200  }
0x68: {  	[sflag:s6] =	ssyncset.done $0x0  }
0x69: {  	[sflag:s6] =	ssyncadd.s32 $0xFFFFCE00  }
0x6a: {  	[tilespmem:s2], [sflag:$0x1] =	stream.linear.gather [hbm4b:s24+s2], $0x3200, $0x38;
	[tilespmem:$0x1E3A8] =	vst v63  }
0x6b: {  	_ = 	snop  }
0x6c: {  	[hbm4b:s25+s2] =	stream.linear.scatter [tilespmem:s12], [sflag:$0x4], $0x3200, $0x38;
	[tilespmem:$0x1E3A8] =	vst v63  }
0x6d: {  	_ =	swait.ge [sflag:s11], $0x3200  }
0x6e: {  	[sflag:s11] =	ssyncset.done $0x0  }
0x6f: {  	[sflag:s11] =	ssyncadd.s32 $0xFFFFCE00  }
0x70: {  	[tilespmem:s10], [sflag:$0x3] =	stream.indirect.gather [spmem:s3], $0x1, s5, s5, $0xb8;
	[tilespmem:$0x1E3A8] =	vst v63  }
0x71: {  	_ =	swait.ge [sflag:s6], $0x3200  }
0x72: {  	[sflag:s6] =	ssyncset.done $0x0  }
0x73: {  	[sflag:s6] =	ssyncadd.s32 $0xFFFFCE00  }
0x74: {  	[tilespmem:s5], [sflag:$0x2] =	stream.linear.gather [hbm4b:s22+s2], $0x3200, $0x38;
	[tilespmem:$0x1E3A8] =	vst v63  }
0x75: {  	_ = 	snop  }
0x76: {  	[hbm4b:s23+s2] =	stream.linear.scatter [tilespmem:s10], [sflag:$0x5], $0x3200, $0x38;
	[tilespmem:$0x1E3A8] =	vst v63  }
0x77: {  	_ =	swait.ge [sflag:s15], $0x3200  }
0x78: {  	[sflag:s15] =	ssyncset.done $0x0  }
0x79: {  	[sflag:s15] =	ssyncadd.s32 $0xFFFFCE00  }
0x7a: {  	_ =	swait.ge [sflag:s9], $0x3200  }
0x7b: {  	[sflag:s9] =	ssyncset.done $0x0  }
0x7c: {  	[sflag:s9] =	ssyncadd.s32 $0xFFFFCE00  }
0x7d: {  	[tilespmem:s12], [sflag:$0x3] =	stream.indirect.gather [spmem:s3], $0x1, s2, s5, $0xb8;
	[tilespmem:$0x1E3A8] =	vst v63  }
0x7e: {  	_ =	swait.ge [sflag:s6], $0x3200  }
0x7f: {  	[sflag:s6] =	ssyncset.done $0x0  }
0x80: {  	[sflag:s6] =	ssyncadd.s32 $0xFFFFCE00  }
0x81: {  	[tilespmem:s2], [sflag:$0x1] =	stream.linear.gather [hbm4b:s20+s2], $0x3200, $0x38;
	[tilespmem:$0x1E3A8] =	vst v63  }
0x82: {  	_ = 	snop  }
0x83: {  	[hbm4b:s21+s2] =	stream.linear.scatter [tilespmem:s12], [sflag:$0x4], $0x3200, $0x38;
	[tilespmem:$0x1E3A8] =	vst v63  }
0x84: {  	_ =	swait.ge [sflag:s11], $0x3200  }
0x85: {  	[sflag:s11] =	ssyncset.done $0x0  }
0x86: {  	[sflag:s11] =	ssyncadd.s32 $0xFFFFCE00  }
0x87: {  	_ =	swait.ge [sflag:s7], $0x3200  }
0x88: {  	[sflag:s7] =	ssyncset.done $0x0  }
0x89: {  	[sflag:s7] =	ssyncadd.s32 $0xFFFFCE00  }
0x8a: {  	[tilespmem:s10], [sflag:$0x3] =	stream.indirect.gather [spmem:s3], $0x1, s5, s5, $0xb8;
	[tilespmem:$0x1E3A8] =	vst v63  }
0x8b: {  	_ =	swait.ge [sflag:s6], $0x3200  }
0x8c: {  	[sflag:s6] =	ssyncset.done $0x0  }
0x8d: {  	[sflag:s6] =	ssyncadd.s32 $0xFFFFCE00  }
0x8e: {  	[tilespmem:s5], [sflag:$0x2] =	stream.linear.gather [hbm4b:s18+s2], $0x3200, $0x38;
	[tilespmem:$0x1E3A8] =	vst v63  }
0x8f: {  	_ = 	snop  }
0x90: {  	[hbm4b:s19+s2] =	stream.linear.scatter [tilespmem:s10], [sflag:$0x5], $0x3200, $0x38;
	[tilespmem:$0x1E3A8] =	vst v63  }
0x91: {  	_ =	swait.ge [sflag:s15], $0x3200  }
0x92: {  	[sflag:s15] =	ssyncset.done $0x0  }
0x93: {  	[sflag:s15] =	ssyncadd.s32 $0xFFFFCE00  }
0x94: {  	_ =	swait.ge [sflag:s9], $0x3200  }
0x95: {  	[sflag:s9] =	ssyncset.done $0x0  }
0x96: {  	[sflag:s9] =	ssyncadd.s32 $0xFFFFCE00  }
0x97: {  	[tilespmem:s12], [sflag:$0x3] =	stream.indirect.gather [spmem:s3], $0x1, s2, s5, $0xb8;
	[tilespmem:$0x1E3A8] =	vst v63  }
0x98: {  	_ =	swait.ge [sflag:s6], $0x3200  }
0x99: {  	[sflag:s6] =	ssyncset.done $0x0  }
0x9a: {  	[sflag:s6] =	ssyncadd.s32 $0xFFFFCE00  }
0x9b: {  	[tilespmem:s2], [sflag:$0x1] =	stream.linear.gather [hbm4b:s16+s2], $0x3200, $0x38;
	[tilespmem:$0x1E3A8] =	vst v63  }
0x9c: {  	_ = 	snop  }
0x9d: {  	[hbm4b:s17+s2] =	stream.linear.scatter [tilespmem:s12], [sflag:$0x4], $0x3200, $0x38;
	[tilespmem:$0x1E3A8] =	vst v63  }
0x9e: {  	_ =	swait.ge [sflag:s11], $0x3200  }
0x9f: {  	[sflag:s11] =	ssyncset.done $0x0  }
0xa0: {  	[sflag:s11] =	ssyncadd.s32 $0xFFFFCE00  }
0xa1: {  	_ =	swait.ge [sflag:s7], $0x3200  }
0xa2: {  	[sflag:s7] =	ssyncset.done $0x0  }
0xa3: {  	[sflag:s7] =	ssyncadd.s32 $0xFFFFCE00  }
0xa4: {  	[tilespmem:s10], [sflag:$0x3] =	stream.indirect.gather [spmem:s3], $0x1, s5, s5, $0xb8;
	[tilespmem:$0x1E3A8] =	vst v63  }
0xa5: {  	_ =	swait.ge [sflag:s6], $0x3200  }
0xa6: {  	[sflag:s6] =	ssyncset.done $0x0  }
0xa7: {  	[sflag:s6] =	ssyncadd.s32 $0xFFFFCE00  }
0xa8: {  	[tilespmem:s5], [sflag:$0x2] =	stream.linear.gather [hbm4b:s13+s2], $0x3200, $0x38;
	[tilespmem:$0x1E3A8] =	vst v63  }
0xa9: {  	_ = 	snop  }
0xaa: {  	[hbm4b:s14+s2] =	stream.linear.scatter [tilespmem:s10], [sflag:$0x5], $0x3200, $0x38;
	[tilespmem:$0x1E3A8] =	vst v63  }
0xab: {  	_ =	swait.ge [sflag:s15], $0x3200  }
0xac: {  	[sflag:s15] =	ssyncset.done $0x0  }
0xad: {  	[sflag:s15] =	ssyncadd.s32 $0xFFFFCE00  }
0xae: {  	_ =	swait.ge [sflag:s9], $0x3200  }
0xaf: {  	[sflag:s9] =	ssyncset.done $0x0  }
0xb0: {  	[sflag:s9] =	ssyncadd.s32 $0xFFFFCE00  }
0xb1: {  	[tilespmem:s12], [sflag:$0x3] =	stream.indirect.gather [spmem:s3], $0x1, s2, s5, $0xb8;
	[tilespmem:$0x1E3A8] =	vst v63  }
0xb2: {  	_ =	swait.ge [sflag:s6], $0x3200  }
0xb3: {  	[sflag:s6] =	ssyncset.done $0x0  }
0xb4: {  	[sflag:s6] =	ssyncadd.s32 $0xFFFFCE00  }
0xb5: {  	[hbm4b:s8+s2] =	stream.linear.scatter [tilespmem:s12], [sflag:$0x4], $0x3200, $0x38;
	[tilespmem:$0x1E3A8] =	vst v63  }
0xb6: {  	_ =	swait.ge [sflag:s11], $0x3200  }
0xb7: {  	[sflag:s11] =	ssyncset.done $0x0  }
0xb8: {  	[sflag:s11] =	ssyncadd.s32 $0xFFFFCE00  }
0xb9: {  	_ =	swait.ge [sflag:s7], $0x3200  }
0xba: {  	[sflag:s7] =	ssyncset.done $0x0  }
0xbb: {  	[sflag:s7] =	ssyncadd.s32 $0xFFFFCE00  }
0xbc: {  	[tilespmem:s10], [sflag:$0x3] =	stream.indirect.gather [spmem:s3], $0x1, s5, s5, $0xb8;
	[tilespmem:$0x1E3A8] =	vst v63  }
0xbd: {  	_ =	swait.ge [sflag:s6], $0x3200  }
0xbe: {  	s0 =	sadd.s32 $0xFFFFFFFF, s30;
	[sflag:s6] =	ssyncset.done $0x0  }
0xbf: {  	p2 =	sne.s32 s0, $0x0;
	[sflag:s6] =	ssyncadd.s32 $0xFFFFCE00  }
0xc0: {  	[hbm4b:s4+s2] =	stream.linear.scatter [tilespmem:s10], [sflag:$0x5], $0x3200, $0x38;
	[tilespmem:$0x1E3A8] =	vst v63  }
.Ltmp1:
0xc1: {  	_ =	swait.ge [sflag:s9], $0x3200;
	(pc) =	sbr.rel @!p2 .LBB2_2-.Ltmp1, $4  }
0xc2: {  	[sflag:s9] =	ssyncset.done $0x0  }
0xc3: {  	[sflag:s9] =	ssyncadd.s32 $0xFFFFCE00  }
0xc4: {  	_ =	swait.ge [sflag:s7], $0x3200  }
0xc5: {  	p1 =	por $0x1, $0x1;
	s1 =	rddreg [dreg:$0x5];
	[sflag:s7] =	ssyncset.done $0x0  }
.LBB2_3:
0xc6: {  	[sflag:s7] =	ssyncadd.s32 $0xFFFFCE00  }
0xc7: {  	[tilespmem:s28], [sflag:$0x6] =	stream.linear.gather [hbm4b:s1+s2], $0x2710, $0x38;
	[tilespmem:$0x1E3A8] =	vst v63  }
0xc8: {  	_ =	swait.ge [sflag:s26], $0x2710  }
0xc9: {  	[sflag:s26] =	ssyncset.done $0x0  }
0xca: {  	s30 =	rddreg [dreg:$0x6];
	[sflag:s26] =	ssyncadd.s32 $0xFFFFD8F0  }
0xcb: {  	[spmem:s30] =	stream.linear.scatter [tilespmem:s28], [sflag:$0x6], $0x2710, $0x38;
	[tilespmem:$0x1E3A8] =	vst v63  }
0xcc: {  	_ =	swait.ge [sflag:s26], $0x2710  }
0xcd: {  	[sflag:s26] =	ssyncset.done $0x0  }
0xce: {  	s30 =	rddreg [dreg:$0x7];
	[sflag:s26] =	ssyncadd.s32 $0xFFFFD8F0  }
0xcf: {  	[tilespmem:s28], [sflag:$0x6] =	stream.linear.gather [hbm4b:s30+s2], $0x2710, $0x38;
	[tilespmem:$0x1E3A8] =	vst v63  }
0xd0: {  	_ =	swait.ge [sflag:s26], $0x2710  }
0xd1: {  	[sflag:s26] =	ssyncset.done $0x0  }
0xd2: {  	s30 =	rddreg [dreg:$0x8];
	[sflag:s26] =	ssyncadd.s32 $0xFFFFD8F0  }
0xd3: {  	[spmem:s30] =	stream.linear.scatter [tilespmem:s28], [sflag:$0x6], $0x2710, $0x38;
	[tilespmem:$0x1E3A8] =	vst v63  }
0xd4: {  	_ =	swait.ge [sflag:s26], $0x2710  }
0xd5: {  	[sflag:s26] =	ssyncset.done $0x0  }
0xd6: {  	s30 =	rddreg [dreg:$0x9];
	[sflag:s26] =	ssyncadd.s32 $0xFFFFD8F0  }
0xd7: {  	[tilespmem:s28], [sflag:$0x6] =	stream.linear.gather [hbm4b:s30+s2], $0x2710, $0x38;
	[tilespmem:$0x1E3A8] =	vst v63  }
0xd8: {  	_ =	swait.ge [sflag:s26], $0x2710  }
0xd9: {  	[sflag:s26] =	ssyncset.done $0x0  }
0xda: {  	s30 =	rddreg [dreg:$0xa];
	[sflag:s26] =	ssyncadd.s32 $0xFFFFD8F0  }
0xdb: {  	[spmem:s30] =	stream.linear.scatter [tilespmem:s28], [sflag:$0x6], $0x2710, $0x38;
	[tilespmem:$0x1E3A8] =	vst v63  }
0xdc: {  	_ =	swait.ge [sflag:s26], $0x2710  }
0xdd: {  	[sflag:s26] =	ssyncset.done $0x0  }
0xde: {  	s30 =	rddreg [dreg:$0xb];
	[sflag:s26] =	ssyncadd.s32 $0xFFFFD8F0  }
0xdf: {  	[tilespmem:s28], [sflag:$0x6] =	stream.linear.gather [hbm4b:s30+s2], $0x2710, $0x38;
	[tilespmem:$0x1E3A8] =	vst v63  }
0xe0: {  	_ =	swait.ge [sflag:s26], $0x2710  }
0xe1: {  	[sflag:s26] =	ssyncset.done $0x0  }
0xe2: {  	s30 =	rddreg [dreg:$0xc];
	[sflag:s26] =	ssyncadd.s32 $0xFFFFD8F0  }
0xe3: {  	[spmem:s30] =	stream.linear.scatter [tilespmem:s28], [sflag:$0x6], $0x2710, $0x38;
	[tilespmem:$0x1E3A8] =	vst v63  }
0xe4: {  	_ =	swait.ge [sflag:s26], $0x2710  }
0xe5: {  	[sflag:s26] =	ssyncset.done $0x0  }
0xe6: {  	s30 =	rddreg [dreg:$0xd];
	[sflag:s26] =	ssyncadd.s32 $0xFFFFD8F0  }
0xe7: {  	[tilespmem:s28], [sflag:$0x6] =	stream.linear.gather [hbm4b:s30+s2], $0x2710, $0x38;
	[tilespmem:$0x1E3A8] =	vst v63  }
0xe8: {  	_ =	swait.ge [sflag:s26], $0x2710  }
0xe9: {  	[sflag:s26] =	ssyncset.done $0x0  }
0xea: {  	s30 =	rddreg [dreg:$0xe];
	[sflag:s26] =	ssyncadd.s32 $0xFFFFD8F0  }
0xeb: {  	[spmem:s30] =	stream.linear.scatter [tilespmem:s28], [sflag:$0x6], $0x2710, $0x38;
	[tilespmem:$0x1E3A8] =	vst v63  }
0xec: {  	_ =	swait.ge [sflag:s26], $0x2710  }
0xed: {  	[sflag:s26] =	ssyncset.done $0x0  }
0xee: {  	s30 =	rddreg [dreg:$0xf];
	[sflag:s26] =	ssyncadd.s32 $0xFFFFD8F0  }
0xef: {  	[tilespmem:s28], [sflag:$0x6] =	stream.linear.gather [hbm4b:s30+s2], $0x2710, $0x38;
	[tilespmem:$0x1E3A8] =	vst v63  }
0xf0: {  	_ =	swait.ge [sflag:s26], $0x2710  }
0xf1: {  	[sflag:s26] =	ssyncset.done $0x0  }
0xf2: {  	s30 =	rddreg [dreg:$0x10];
	[sflag:s26] =	ssyncadd.s32 $0xFFFFD8F0  }
0xf3: {  	[spmem:s30] =	stream.linear.scatter [tilespmem:s28], [sflag:$0x6], $0x2710, $0x38;
	[tilespmem:$0x1E3A8] =	vst v63  }
0xf4: {  	_ =	swait.ge [sflag:s26], $0x2710  }
0xf5: {  	[sflag:s26] =	ssyncset.done $0x0  }
0xf6: {  	s30 =	simm.s32 @!p0 $0x0;
	s1 =	rddreg [dreg:$0x11];
	[sflag:s26] =	ssyncadd.s32 $0xFFFFD8F0  }
0xf7: {  	[tilespmem:s31], [sflag:$0x6] =	stream.linear.gather @!p0 [hbm4b:s1+s30], $0x2710, $0x38;
	[tilespmem:$0x1E3A8] =	vst v63  }
0xf8: {  	_ =	swait.ge @!p0 [sflag:s29], $0x2710  }
0xf9: {  	[sflag:s29] =	ssyncset.done @!p0 $0x0  }
0xfa: {  	s1 =	rddreg [dreg:$0x12];
	[sflag:s29] =	ssyncadd.s32 @!p0 $0xFFFFD8F0  }
0xfb: {  	[spmem:s1] =	stream.linear.scatter @!p0 [tilespmem:s31], [sflag:$0x6], $0x2710, $0x38;
	[tilespmem:$0x1E3A8] =	vst v63  }
0xfc: {  	_ =	swait.ge @!p0 [sflag:s29], $0x2710  }
0xfd: {  	[sflag:s29] =	ssyncset.done @!p0 $0x0  }
0xfe: {  	[sflag:s29] =	ssyncadd.s32 @!p0 $0xFFFFD8F0  }
0xff: {  	[bflag:$0x0] =	sbarrier.arrive $0xFFFF  }
0x100: {  	s1 =	rddreg [dreg:$0x13]  }
0x101: {  	[tilespmem:s2], [sflag:$0x1] =	stream.linear.gather [hbm4b:s1+s2], $0x3200, $0x38;
	[tilespmem:$0x1E3A8] =	vst v63  }
0x102: {  	s30 =	rddreg [dreg:$0x14]  }
0x103: {  	[tilespmem:s5], [sflag:$0x2] =	stream.linear.gather [hbm4b:s30+s2], $0x3200, $0x38;
	[tilespmem:$0x1E3A8] =	vst v63  }
0x104: {  	_ =	swait.ge [sflag:s15], $0x3200  }
0x105: {  	[sflag:s15] =	ssyncset.done $0x0  }
0x106: {  	[sflag:s15] =	ssyncadd.s32 $0xFFFFCE00  }
0x107: {  	[tilespmem:s12], [sflag:$0x3] =	stream.indirect.gather [spmem:s3], $0x1, s2, s5, $0xb8;
	[tilespmem:$0x1E3A8] =	vst v63  }
0x108: {  	_ =	swait.ge [sflag:s6], $0x3200  }
0x109: {  	[sflag:s6] =	ssyncset.done $0x0  }
0x10a: {  	[sflag:s6] =	ssyncadd.s32 $0xFFFFCE00  }
0x10b: {  	[tilespmem:s2], [sflag:$0x1] =	stream.linear.gather [hbm4b:s24+s2], $0x3200, $0x38;
	[tilespmem:$0x1E3A8] =	vst v63  }
0x10c: {  	_ = 	snop  }
0x10d: {  	[hbm4b:s25+s2] =	stream.linear.scatter [tilespmem:s12], [sflag:$0x4], $0x3200, $0x38;
	[tilespmem:$0x1E3A8] =	vst v63  }
0x10e: {  	_ =	swait.ge [sflag:s11], $0x3200  }
0x10f: {  	[sflag:s11] =	ssyncset.done $0x0  }
0x110: {  	[sflag:s11] =	ssyncadd.s32 $0xFFFFCE00  }
0x111: {  	[tilespmem:s10], [sflag:$0x3] =	stream.indirect.gather [spmem:s3], $0x1, s5, s5, $0xb8;
	[tilespmem:$0x1E3A8] =	vst v63  }
0x112: {  	_ =	swait.ge [sflag:s6], $0x3200  }
0x113: {  	[sflag:s6] =	ssyncset.done $0x0  }
0x114: {  	[sflag:s6] =	ssyncadd.s32 $0xFFFFCE00  }
0x115: {  	[tilespmem:s5], [sflag:$0x2] =	stream.linear.gather [hbm4b:s22+s2], $0x3200, $0x38;
	[tilespmem:$0x1E3A8] =	vst v63  }
0x116: {  	_ = 	snop  }
0x117: {  	[hbm4b:s23+s2] =	stream.linear.scatter [tilespmem:s10], [sflag:$0x5], $0x3200, $0x38;
	[tilespmem:$0x1E3A8] =	vst v63  }
0x118: {  	_ =	swait.ge [sflag:s15], $0x3200  }
0x119: {  	[sflag:s15] =	ssyncset.done $0x0  }
0x11a: {  	[sflag:s15] =	ssyncadd.s32 $0xFFFFCE00  }
0x11b: {  	_ =	swait.ge [sflag:s9], $0x3200  }
0x11c: {  	[sflag:s9] =	ssyncset.done $0x0  }
0x11d: {  	[sflag:s9] =	ssyncadd.s32 $0xFFFFCE00  }
0x11e: {  	[tilespmem:s12], [sflag:$0x3] =	stream.indirect.gather [spmem:s3], $0x1, s2, s5, $0xb8;
	[tilespmem:$0x1E3A8] =	vst v63  }
0x11f: {  	_ =	swait.ge [sflag:s6], $0x3200  }
0x120: {  	[sflag:s6] =	ssyncset.done $0x0  }
0x121: {  	[sflag:s6] =	ssyncadd.s32 $0xFFFFCE00  }
0x122: {  	[tilespmem:s2], [sflag:$0x1] =	stream.linear.gather [hbm4b:s20+s2], $0x3200, $0x38;
	[tilespmem:$0x1E3A8] =	vst v63  }
0x123: {  	_ = 	snop  }
0x124: {  	[hbm4b:s21+s2] =	stream.linear.scatter [tilespmem:s12], [sflag:$0x4], $0x3200, $0x38;
	[tilespmem:$0x1E3A8] =	vst v63  }
0x125: {  	_ =	swait.ge [sflag:s11], $0x3200  }
0x126: {  	[sflag:s11] =	ssyncset.done $0x0  }
0x127: {  	[sflag:s11] =	ssyncadd.s32 $0xFFFFCE00  }
0x128: {  	_ =	swait.ge [sflag:s7], $0x3200  }
0x129: {  	[sflag:s7] =	ssyncset.done $0x0  }
0x12a: {  	[sflag:s7] =	ssyncadd.s32 $0xFFFFCE00  }
0x12b: {  	[tilespmem:s10], [sflag:$0x3] =	stream.indirect.gather [spmem:s3], $0x1, s5, s5, $0xb8;
	[tilespmem:$0x1E3A8] =	vst v63  }
0x12c: {  	_ =	swait.ge [sflag:s6], $0x3200  }
0x12d: {  	[sflag:s6] =	ssyncset.done $0x0  }
0x12e: {  	[sflag:s6] =	ssyncadd.s32 $0xFFFFCE00  }
0x12f: {  	[tilespmem:s5], [sflag:$0x2] =	stream.linear.gather [hbm4b:s18+s2], $0x3200, $0x38;
	[tilespmem:$0x1E3A8] =	vst v63  }
0x130: {  	_ = 	snop  }
0x131: {  	[hbm4b:s19+s2] =	stream.linear.scatter [tilespmem:s10], [sflag:$0x5], $0x3200, $0x38;
	[tilespmem:$0x1E3A8] =	vst v63  }
0x132: {  	_ =	swait.ge [sflag:s15], $0x3200  }
0x133: {  	[sflag:s15] =	ssyncset.done $0x0  }
0x134: {  	[sflag:s15] =	ssyncadd.s32 $0xFFFFCE00  }
0x135: {  	_ =	swait.ge [sflag:s9], $0x3200  }
0x136: {  	[sflag:s9] =	ssyncset.done $0x0  }
0x137: {  	[sflag:s9] =	ssyncadd.s32 $0xFFFFCE00  }
0x138: {  	[tilespmem:s12], [sflag:$0x3] =	stream.indirect.gather [spmem:s3], $0x1, s2, s5, $0xb8;
	[tilespmem:$0x1E3A8] =	vst v63  }
0x139: {  	_ =	swait.ge [sflag:s6], $0x3200  }
0x13a: {  	[sflag:s6] =	ssyncset.done $0x0  }
0x13b: {  	[sflag:s6] =	ssyncadd.s32 $0xFFFFCE00  }
0x13c: {  	[tilespmem:s2], [sflag:$0x1] =	stream.linear.gather [hbm4b:s16+s2], $0x3200, $0x38;
	[tilespmem:$0x1E3A8] =	vst v63  }
0x13d: {  	_ = 	snop  }
0x13e: {  	[hbm4b:s17+s2] =	stream.linear.scatter [tilespmem:s12], [sflag:$0x4], $0x3200, $0x38;
	[tilespmem:$0x1E3A8] =	vst v63  }
0x13f: {  	_ =	swait.ge [sflag:s11], $0x3200  }
0x140: {  	[sflag:s11] =	ssyncset.done $0x0  }
0x141: {  	[sflag:s11] =	ssyncadd.s32 $0xFFFFCE00  }
0x142: {  	_ =	swait.ge [sflag:s7], $0x3200  }
0x143: {  	[sflag:s7] =	ssyncset.done $0x0  }
0x144: {  	[sflag:s7] =	ssyncadd.s32 $0xFFFFCE00  }
0x145: {  	[tilespmem:s10], [sflag:$0x3] =	stream.indirect.gather [spmem:s3], $0x1, s5, s5, $0xb8;
	[tilespmem:$0x1E3A8] =	vst v63  }
0x146: {  	_ =	swait.ge [sflag:s6], $0x3200  }
0x147: {  	[sflag:s6] =	ssyncset.done $0x0  }
0x148: {  	[sflag:s6] =	ssyncadd.s32 $0xFFFFCE00  }
0x149: {  	[tilespmem:s5], [sflag:$0x2] =	stream.linear.gather [hbm4b:s13+s2], $0x3200, $0x38;
	[tilespmem:$0x1E3A8] =	vst v63  }
0x14a: {  	_ = 	snop  }
0x14b: {  	[hbm4b:s14+s2] =	stream.linear.scatter [tilespmem:s10], [sflag:$0x5], $0x3200, $0x38;
	[tilespmem:$0x1E3A8] =	vst v63  }
0x14c: {  	_ =	swait.ge [sflag:s15], $0x3200  }
0x14d: {  	[sflag:s15] =	ssyncset.done $0x0  }
0x14e: {  	[sflag:s15] =	ssyncadd.s32 $0xFFFFCE00  }
0x14f: {  	_ =	swait.ge [sflag:s9], $0x3200  }
0x150: {  	[sflag:s9] =	ssyncset.done $0x0  }
0x151: {  	[sflag:s9] =	ssyncadd.s32 $0xFFFFCE00  }
0x152: {  	[tilespmem:s12], [sflag:$0x3] =	stream.indirect.gather [spmem:s3], $0x1, s2, s5, $0xb8;
	[tilespmem:$0x1E3A8] =	vst v63  }
0x153: {  	_ =	swait.ge [sflag:s6], $0x3200  }
0x154: {  	[sflag:s6] =	ssyncset.done $0x0  }
0x155: {  	[sflag:s6] =	ssyncadd.s32 $0xFFFFCE00  }
0x156: {  	[hbm4b:s8+s2] =	stream.linear.scatter [tilespmem:s12], [sflag:$0x4], $0x3200, $0x38;
	[tilespmem:$0x1E3A8] =	vst v63  }
0x157: {  	_ =	swait.ge [sflag:s11], $0x3200  }
0x158: {  	[sflag:s11] =	ssyncset.done $0x0  }
0x159: {  	[sflag:s11] =	ssyncadd.s32 $0xFFFFCE00  }
0x15a: {  	_ =	swait.ge [sflag:s7], $0x3200  }
0x15b: {  	[sflag:s7] =	ssyncset.done $0x0  }
0x15c: {  	[sflag:s7] =	ssyncadd.s32 $0xFFFFCE00  }
0x15d: {  	[tilespmem:s10], [sflag:$0x3] =	stream.indirect.gather [spmem:s3], $0x1, s5, s5, $0xb8;
	[tilespmem:$0x1E3A8] =	vst v63  }
0x15e: {  	_ =	swait.ge [sflag:s6], $0x3200  }
0x15f: {  	s0 =	sadd.s32 $0xFFFFFFFF, s0;
	[sflag:s6] =	ssyncset.done $0x0  }
0x160: {  	p2 =	sne.s32 s0, $0x0;
	[sflag:s6] =	ssyncadd.s32 $0xFFFFCE00  }
0x161: {  	[hbm4b:s4+s2] =	stream.linear.scatter [tilespmem:s10], [sflag:$0x5], $0x3200, $0x38;
	[tilespmem:$0x1E3A8] =	vst v63  }
.Ltmp2:
0x162: {  	_ =	swait.ge [sflag:s9], $0x3200;
	(pc) =	sbr.rel @p2 .LBB2_3-.Ltmp2, $4  }
0x163: {  	[sflag:s9] =	ssyncset.done $0x0  }
0x164: {  	[sflag:s9] =	ssyncadd.s32 $0xFFFFCE00  }
0x165: {  	_ =	swait.ge [sflag:s7], $0x3200  }
0x166: {  	s1 =	rddreg [dreg:$0x5];
	[sflag:s7] =	ssyncset.done $0x0  }
0x167: {  	s29 =	rddreg [dreg:$0x4];
	s30 =	stileid.u32  }
.LBB2_5:
0x168: {  	[sflag:s7] =	ssyncadd.s32 @p1 $0xFFFFCE00  }
0x169: {  	[tilespmem:s28], [sflag:$0x6] =	stream.linear.gather [hbm4b:s1+s2], $0x2710, $0x38;
	[tilespmem:$0x1E3A8] =	vst v63  }
0x16a: {  	_ =	swait.ge [sflag:s26], $0x2710  }
0x16b: {  	[sflag:s26] =	ssyncset.done $0x0  }
0x16c: {  	s0 =	rddreg [dreg:$0x6];
	[sflag:s26] =	ssyncadd.s32 $0xFFFFD8F0  }
0x16d: {  	[spmem:s0] =	stream.linear.scatter [tilespmem:s28], [sflag:$0x6], $0x2710, $0x38;
	[tilespmem:$0x1E3A8] =	vst v63  }
0x16e: {  	_ =	swait.ge [sflag:s26], $0x2710  }
0x16f: {  	[sflag:s26] =	ssyncset.done $0x0  }
0x170: {  	s31 =	rddreg [dreg:$0x7];
	[sflag:s26] =	ssyncadd.s32 $0xFFFFD8F0  }
0x171: {  	[tilespmem:s28], [sflag:$0x6] =	stream.linear.gather [hbm4b:s31+s2], $0x2710, $0x38;
	[tilespmem:$0x1E3A8] =	vst v63  }
0x172: {  	_ =	swait.ge [sflag:s26], $0x2710  }
0x173: {  	[sflag:s26] =	ssyncset.done $0x0  }
0x174: {  	s1 =	rddreg [dreg:$0x8];
	[sflag:s26] =	ssyncadd.s32 $0xFFFFD8F0  }
0x175: {  	[spmem:s1] =	stream.linear.scatter [tilespmem:s28], [sflag:$0x6], $0x2710, $0x38;
	[tilespmem:$0x1E3A8] =	vst v63  }
0x176: {  	_ =	swait.ge [sflag:s26], $0x2710  }
0x177: {  	[sflag:s26] =	ssyncset.done $0x0  }
0x178: {  	s31 =	rddreg [dreg:$0x9];
	[sflag:s26] =	ssyncadd.s32 $0xFFFFD8F0  }
0x179: {  	[tilespmem:s28], [sflag:$0x6] =	stream.linear.gather [hbm4b:s31+s2], $0x2710, $0x38;
	[tilespmem:$0x1E3A8] =	vst v63  }
0x17a: {  	_ =	swait.ge [sflag:s26], $0x2710  }
0x17b: {  	[sflag:s26] =	ssyncset.done $0x0  }
0x17c: {  	s1 =	rddreg [dreg:$0xa];
	[sflag:s26] =	ssyncadd.s32 $0xFFFFD8F0  }
0x17d: {  	[spmem:s1] =	stream.linear.scatter [tilespmem:s28], [sflag:$0x6], $0x2710, $0x38;
	[tilespmem:$0x1E3A8] =	vst v63  }
0x17e: {  	_ =	swait.ge [sflag:s26], $0x2710  }
0x17f: {  	[sflag:s26] =	ssyncset.done $0x0  }
0x180: {  	s31 =	rddreg [dreg:$0xb];
	[sflag:s26] =	ssyncadd.s32 $0xFFFFD8F0  }
0x181: {  	[tilespmem:s28], [sflag:$0x6] =	stream.linear.gather [hbm4b:s31+s2], $0x2710, $0x38;
	[tilespmem:$0x1E3A8] =	vst v63  }
0x182: {  	_ =	swait.ge [sflag:s26], $0x2710  }
0x183: {  	[sflag:s26] =	ssyncset.done $0x0  }
0x184: {  	s1 =	rddreg [dreg:$0xc];
	[sflag:s26] =	ssyncadd.s32 $0xFFFFD8F0  }
0x185: {  	[spmem:s1] =	stream.linear.scatter [tilespmem:s28], [sflag:$0x6], $0x2710, $0x38;
	[tilespmem:$0x1E3A8] =	vst v63  }
0x186: {  	_ =	swait.ge [sflag:s26], $0x2710  }
0x187: {  	[sflag:s26] =	ssyncset.done $0x0  }
0x188: {  	s31 =	rddreg [dreg:$0xd];
	[sflag:s26] =	ssyncadd.s32 $0xFFFFD8F0  }
0x189: {  	[tilespmem:s28], [sflag:$0x6] =	stream.linear.gather [hbm4b:s31+s2], $0x2710, $0x38;
	[tilespmem:$0x1E3A8] =	vst v63  }
0x18a: {  	_ =	swait.ge [sflag:s26], $0x2710  }
0x18b: {  	[sflag:s26] =	ssyncset.done $0x0  }
0x18c: {  	s1 =	rddreg [dreg:$0xe];
	[sflag:s26] =	ssyncadd.s32 $0xFFFFD8F0  }
0x18d: {  	[spmem:s1] =	stream.linear.scatter [tilespmem:s28], [sflag:$0x6], $0x2710, $0x38;
	[tilespmem:$0x1E3A8] =	vst v63  }
0x18e: {  	_ =	swait.ge [sflag:s26], $0x2710  }
0x18f: {  	[sflag:s26] =	ssyncset.done $0x0  }
0x190: {  	s31 =	rddreg [dreg:$0xf];
	[sflag:s26] =	ssyncadd.s32 $0xFFFFD8F0  }
0x191: {  	[tilespmem:s28], [sflag:$0x6] =	stream.linear.gather [hbm4b:s31+s2], $0x2710, $0x38;
	[tilespmem:$0x1E3A8] =	vst v63  }
0x192: {  	_ =	swait.ge [sflag:s26], $0x2710  }
0x193: {  	[sflag:s26] =	ssyncset.done $0x0  }
0x194: {  	s1 =	rddreg [dreg:$0x10];
	[sflag:s26] =	ssyncadd.s32 $0xFFFFD8F0  }
0x195: {  	[spmem:s1] =	stream.linear.scatter [tilespmem:s28], [sflag:$0x6], $0x2710, $0x38;
	[tilespmem:$0x1E3A8] =	vst v63  }
0x196: {  	_ =	swait.ge [sflag:s26], $0x2710  }
0x197: {  	s1 =	simm.s32 @!p0 $0x0;
	[sflag:s26] =	ssyncset.done $0x0  }
0x198: {  	s0 =	rddreg [dreg:$0x11];
	[sflag:s26] =	ssyncadd.s32 $0xFFFFD8F0;
	s26 =	simm.s32 @!p0 $0xC800  }
0x199: {  	[tilespmem:s26], [sflag:$0x6] =	stream.linear.gather @!p0 [hbm4b:s0+s1], $0x2710, $0x38;
	[tilespmem:$0x1E3A8] =	vst v63  }
0x19a: {  	s0 =	simm.s32 @!p0 $0x6  }
0x19b: {  	_ =	swait.ge @!p0 [sflag:s0], $0x2710  }
0x19c: {  	[sflag:s0] =	ssyncset.done @!p0 $0x0  }
0x19d: {  	s1 =	rddreg [dreg:$0x12];
	[sflag:s0] =	ssyncadd.s32 @!p0 $0xFFFFD8F0  }
0x19e: {  	[spmem:s1] =	stream.linear.scatter @!p0 [tilespmem:s26], [sflag:$0x6], $0x2710, $0x38;
	[tilespmem:$0x1E3A8] =	vst v63  }
0x19f: {  	_ =	swait.ge @!p0 [sflag:s0], $0x2710  }
0x1a0: {  	[sflag:s0] =	ssyncset.done @!p0 $0x0  }
0x1a1: {  	[sflag:s0] =	ssyncadd.s32 @!p0 $0xFFFFD8F0  }
0x1a2: {  	[bflag:$0x0] =	sbarrier.arrive $0xFFFF  }
0x1a3: {  	s28 =	rddreg [dreg:$0x13]  }
0x1a4: {  	[tilespmem:s2], [sflag:$0x1] =	stream.linear.gather [hbm4b:s28+s2], $0x3200, $0x38;
	[tilespmem:$0x1E3A8] =	vst v63  }
0x1a5: {  	s31 =	rddreg [dreg:$0x14]  }
0x1a6: {  	[tilespmem:s5], [sflag:$0x2] =	stream.linear.gather [hbm4b:s31+s2], $0x3200, $0x38;
	[tilespmem:$0x1E3A8] =	vst v63  }
0x1a7: {  	_ =	swait.ge [sflag:s15], $0x3200  }
0x1a8: {  	[sflag:s15] =	ssyncset.done $0x0  }
0x1a9: {  	[sflag:s15] =	ssyncadd.s32 $0xFFFFCE00  }
0x1aa: {  	[tilespmem:s12], [sflag:$0x3] =	stream.indirect.gather [spmem:s3], $0x1, s2, s5, $0xb8;
	[tilespmem:$0x1E3A8] =	vst v63  }
0x1ab: {  	_ =	swait.ge [sflag:s6], $0x3200  }
0x1ac: {  	[sflag:s6] =	ssyncset.done $0x0  }
0x1ad: {  	[sflag:s6] =	ssyncadd.s32 $0xFFFFCE00  }
0x1ae: {  	[tilespmem:s2], [sflag:$0x1] =	stream.linear.gather [hbm4b:s24+s2], $0x3200, $0x38;
	[tilespmem:$0x1E3A8] =	vst v63  }
0x1af: {  	_ = 	snop  }
0x1b0: {  	[hbm4b:s25+s2] =	stream.linear.scatter [tilespmem:s12], [sflag:$0x4], $0x3200, $0x38;
	[tilespmem:$0x1E3A8] =	vst v63  }
0x1b1: {  	_ =	swait.ge [sflag:s11], $0x3200  }
0x1b2: {  	[sflag:s11] =	ssyncset.done $0x0  }
0x1b3: {  	[sflag:s11] =	ssyncadd.s32 $0xFFFFCE00  }
0x1b4: {  	[tilespmem:s10], [sflag:$0x3] =	stream.indirect.gather [spmem:s3], $0x1, s5, s5, $0xb8;
	[tilespmem:$0x1E3A8] =	vst v63  }
0x1b5: {  	_ =	swait.ge [sflag:s6], $0x3200  }
0x1b6: {  	[sflag:s6] =	ssyncset.done $0x0  }
0x1b7: {  	[sflag:s6] =	ssyncadd.s32 $0xFFFFCE00  }
0x1b8: {  	[tilespmem:s5], [sflag:$0x2] =	stream.linear.gather [hbm4b:s22+s2], $0x3200, $0x38;
	[tilespmem:$0x1E3A8] =	vst v63  }
0x1b9: {  	_ = 	snop  }
0x1ba: {  	[hbm4b:s23+s2] =	stream.linear.scatter [tilespmem:s10], [sflag:$0x5], $0x3200, $0x38;
	[tilespmem:$0x1E3A8] =	vst v63  }
0x1bb: {  	_ =	swait.ge [sflag:s15], $0x3200  }
0x1bc: {  	[sflag:s15] =	ssyncset.done $0x0  }
0x1bd: {  	[sflag:s15] =	ssyncadd.s32 $0xFFFFCE00  }
0x1be: {  	_ =	swait.ge [sflag:s9], $0x3200  }
0x1bf: {  	[sflag:s9] =	ssyncset.done $0x0  }
0x1c0: {  	[sflag:s9] =	ssyncadd.s32 $0xFFFFCE00  }
0x1c1: {  	[tilespmem:s12], [sflag:$0x3] =	stream.indirect.gather [spmem:s3], $0x1, s2, s5, $0xb8;
	[tilespmem:$0x1E3A8] =	vst v63  }
0x1c2: {  	_ =	swait.ge [sflag:s6], $0x3200  }
0x1c3: {  	[sflag:s6] =	ssyncset.done $0x0  }
0x1c4: {  	[sflag:s6] =	ssyncadd.s32 $0xFFFFCE00  }
0x1c5: {  	[tilespmem:s2], [sflag:$0x1] =	stream.linear.gather [hbm4b:s20+s2], $0x3200, $0x38;
	[tilespmem:$0x1E3A8] =	vst v63  }
0x1c6: {  	_ = 	snop  }
0x1c7: {  	[hbm4b:s21+s2] =	stream.linear.scatter [tilespmem:s12], [sflag:$0x4], $0x3200, $0x38;
	[tilespmem:$0x1E3A8] =	vst v63  }
0x1c8: {  	_ =	swait.ge [sflag:s11], $0x3200  }
0x1c9: {  	[sflag:s11] =	ssyncset.done $0x0  }
0x1ca: {  	[sflag:s11] =	ssyncadd.s32 $0xFFFFCE00  }
0x1cb: {  	_ =	swait.ge [sflag:s7], $0x3200  }
0x1cc: {  	[sflag:s7] =	ssyncset.done $0x0  }
0x1cd: {  	[sflag:s7] =	ssyncadd.s32 $0xFFFFCE00  }
0x1ce: {  	[tilespmem:s10], [sflag:$0x3] =	stream.indirect.gather [spmem:s3], $0x1, s5, s5, $0xb8;
	[tilespmem:$0x1E3A8] =	vst v63  }
0x1cf: {  	_ =	swait.ge [sflag:s6], $0x3200  }
0x1d0: {  	[sflag:s6] =	ssyncset.done $0x0  }
0x1d1: {  	[sflag:s6] =	ssyncadd.s32 $0xFFFFCE00  }
0x1d2: {  	[tilespmem:s5], [sflag:$0x2] =	stream.linear.gather [hbm4b:s18+s2], $0x3200, $0x38;
	[tilespmem:$0x1E3A8] =	vst v63  }
0x1d3: {  	_ = 	snop  }
0x1d4: {  	[hbm4b:s19+s2] =	stream.linear.scatter [tilespmem:s10], [sflag:$0x5], $0x3200, $0x38;
	[tilespmem:$0x1E3A8] =	vst v63  }
0x1d5: {  	_ =	swait.ge [sflag:s15], $0x3200  }
0x1d6: {  	[sflag:s15] =	ssyncset.done $0x0  }
0x1d7: {  	[sflag:s15] =	ssyncadd.s32 $0xFFFFCE00  }
0x1d8: {  	_ =	swait.ge [sflag:s9], $0x3200  }
0x1d9: {  	[sflag:s9] =	ssyncset.done $0x0  }
0x1da: {  	[sflag:s9] =	ssyncadd.s32 $0xFFFFCE00  }
0x1db: {  	[tilespmem:s12], [sflag:$0x3] =	stream.indirect.gather [spmem:s3], $0x1, s2, s5, $0xb8;
	[tilespmem:$0x1E3A8] =	vst v63  }
0x1dc: {  	_ =	swait.ge [sflag:s6], $0x3200  }
0x1dd: {  	[sflag:s6] =	ssyncset.done $0x0  }
0x1de: {  	[sflag:s6] =	ssyncadd.s32 $0xFFFFCE00  }
0x1df: {  	[tilespmem:s2], [sflag:$0x1] =	stream.linear.gather [hbm4b:s16+s2], $0x3200, $0x38;
	[tilespmem:$0x1E3A8] =	vst v63  }
0x1e0: {  	_ = 	snop  }
0x1e1: {  	[hbm4b:s17+s2] =	stream.linear.scatter [tilespmem:s12], [sflag:$0x4], $0x3200, $0x38;
	[tilespmem:$0x1E3A8] =	vst v63  }
0x1e2: {  	_ =	swait.ge [sflag:s11], $0x3200  }
0x1e3: {  	[sflag:s11] =	ssyncset.done $0x0  }
0x1e4: {  	[sflag:s11] =	ssyncadd.s32 $0xFFFFCE00  }
0x1e5: {  	_ =	swait.ge [sflag:s7], $0x3200  }
0x1e6: {  	[sflag:s7] =	ssyncset.done $0x0  }
0x1e7: {  	[sflag:s7] =	ssyncadd.s32 $0xFFFFCE00  }
0x1e8: {  	[tilespmem:s10], [sflag:$0x3] =	stream.indirect.gather [spmem:s3], $0x1, s5, s5, $0xb8;
	[tilespmem:$0x1E3A8] =	vst v63  }
0x1e9: {  	_ =	swait.ge [sflag:s6], $0x3200  }
0x1ea: {  	[sflag:s6] =	ssyncset.done $0x0  }
0x1eb: {  	[sflag:s6] =	ssyncadd.s32 $0xFFFFCE00  }
0x1ec: {  	[tilespmem:s5], [sflag:$0x2] =	stream.linear.gather [hbm4b:s13+s2], $0x3200, $0x38;
	[tilespmem:$0x1E3A8] =	vst v63  }
0x1ed: {  	_ = 	snop  }
0x1ee: {  	[hbm4b:s14+s2] =	stream.linear.scatter [tilespmem:s10], [sflag:$0x5], $0x3200, $0x38;
	[tilespmem:$0x1E3A8] =	vst v63  }
0x1ef: {  	_ =	swait.ge [sflag:s15], $0x3200  }
0x1f0: {  	[sflag:s15] =	ssyncset.done $0x0  }
0x1f1: {  	[sflag:s15] =	ssyncadd.s32 $0xFFFFCE00  }
0x1f2: {  	_ =	swait.ge [sflag:s9], $0x3200  }
0x1f3: {  	[sflag:s9] =	ssyncset.done $0x0  }
0x1f4: {  	[sflag:s9] =	ssyncadd.s32 $0xFFFFCE00  }
0x1f5: {  	[tilespmem:s12], [sflag:$0x3] =	stream.indirect.gather [spmem:s3], $0x1, s2, s5, $0xb8;
	[tilespmem:$0x1E3A8] =	vst v63  }
0x1f6: {  	_ =	swait.ge [sflag:s6], $0x3200  }
0x1f7: {  	[sflag:s6] =	ssyncset.done $0x0  }
0x1f8: {  	[sflag:s6] =	ssyncadd.s32 $0xFFFFCE00  }
0x1f9: {  	[hbm4b:s8+s2] =	stream.linear.scatter [tilespmem:s12], [sflag:$0x4], $0x3200, $0x38;
	[tilespmem:$0x1E3A8] =	vst v63  }
0x1fa: {  	_ =	swait.ge [sflag:s11], $0x3200  }
0x1fb: {  	[sflag:s11] =	ssyncset.done $0x0  }
0x1fc: {  	[sflag:s11] =	ssyncadd.s32 $0xFFFFCE00  }
0x1fd: {  	_ =	swait.ge [sflag:s7], $0x3200  }
0x1fe: {  	[sflag:s7] =	ssyncset.done $0x0  }
0x1ff: {  	[sflag:s7] =	ssyncadd.s32 $0xFFFFCE00  }
0x200: {  	[tilespmem:s10], [sflag:$0x3] =	stream.indirect.gather [spmem:s3], $0x1, s5, s5, $0xb8;
	[tilespmem:$0x1E3A8] =	vst v63  }
0x201: {  	_ =	swait.ge [sflag:s6], $0x3200  }
0x202: {  	[sflag:s6] =	ssyncset.done $0x0  }
0x203: {  	[sflag:s6] =	ssyncadd.s32 $0xFFFFCE00  }
0x204: {  	[hbm4b:s4+s2] =	stream.linear.scatter [tilespmem:s10], [sflag:$0x5], $0x3200, $0x38;
	[tilespmem:$0x1E3A8] =	vst v63  }
0x205: {  	_ =	swait.ge [sflag:s9], $0x3200  }
0x206: {  	[sflag:s9] =	ssyncset.done $0x0  }
0x207: {  	[sflag:s9] =	ssyncadd.s32 $0xFFFFCE00  }
0x208: {  	_ =	swait.ge [sflag:s7], $0x3200  }
0x209: {  	[sflag:s7] =	ssyncset.done $0x0  }
0x20a: {  	[sflag:s7] =	ssyncadd.s32 $0xFFFFCE00  }
0x20b: {  	_ =	sfence.sel $0x180000  }
0x20c: {  	[bflag:$0x0] =	sbarrier.arrive $0xFFFF  }
0x20d: {  	p0 =	sne.s32 s30, $0x0;
	_ =	strace $0x90000047  }
0x20e: {  	s0 =	sadd.s32 @!p0 $0x100000, s29;
	[bflag:$0x2] =	sbarrier.arrive $0xFFFF  }
0x20f: {  	[sflag:s0] =	ssyncadd.tile.s32 @!p0 $0x1;
	_ =	shalt  }
.LBB2_2:
.Ltmp3:
0x210: {  	(pc) =	sbr.rel .LBB2_5-.Ltmp3, $2  }
0x211: {  	_ =	sdelay $0x2  }
0x212: {  	s29 =	rddreg [dreg:$0x4];
	s30 =	stileid.u32  }
.Lfunc_end2:
_tile_overlayer_lowered:
.L_overlay_start_2:
0x213: {  	(tag) =	ssettag $0x2  }
0x214: {  	s0 =	rddreg [dreg:$0x0];
	s2 =	stileid.u32  }
0x215: {  	s1 =	rddreg [dreg:$0x1];
	p0 =	sne.s32 s2, $0x0  }
0x216: {  	s3 =	rddreg [dreg:$0x2];
	[bflag:$0x3] =	sbarrier.arrive $0xFFFF;
	s2 =	simm.s32 @!p0 $0x1C06  }
0x217: {  	[timem:s3], [sflag:s2] =	dma.local @!p0 [hbm:s0], s1  }
0x218: {  	s0 =	simm.s32 @!p0 $0x6  }
0x219: {  	_ =	swait.ge @!p0 [sflag:s0], s1  }
0x21a: {  	s1 =	ssub.s32 @!p0 $0x0, s1;
	[sflag:s0] =	ssyncset.done @!p0 $0x0  }
0x21b: {  	[sflag:s0] =	ssyncadd.s32 @!p0 s1  }
0x21c: {  	[bflag:$0x3] =	sbarrier.arrive $0xFFFF  }
0x21d: {  	_ =	shalt  }

</sc_bundles>
